<compile_context>
chip_gen: v7x
topology: tpu7x:2x2x1
jax: 0.10.2.dev20260603
libtpu: 0.0.44.dev20260713+nightly
codegen_flags: <defaults>
</compile_context>

<pallas_src>
import dataclasses
import functools

import jax
import jax.numpy as jnp
from jax import lax
from jax.experimental import pallas as pl
from jax.experimental.pallas import tpu as pltpu
from jax.experimental.pallas import tpu_sc as plsc


def kernel(x, edge_index, edge_weight, traj_seqs, seq_lengths, W, b):
    N, F = x.shape
    E = edge_index.shape[1]
    B, L = traj_seqs.shape
    NC, NS = 2, 16
    NW = NC * NS
    CHUNK = 128
    NT = 10240
    STRIPE = NT // NS
    NPAD = 64
    FCH = F // 16

    HF = F // 2
    per_s = -(-E // (NS * CHUNK * 2)) * CHUNK * 2
    NCH2 = per_s // CHUNK
    pad2 = per_s * NS - E

    TOK = B * L
    TPW = TOK // NW
    TCH = TPW // CHUNK

    i32 = jnp.int32
    f32 = jnp.float32

    src = edge_index[0].astype(i32)
    dst = edge_index[1].astype(i32)
    w = edge_weight.astype(f32)
    pad_idx2 = jnp.arange(pad2, dtype=i32) % N
    src2 = jnp.concatenate([src, pad_idx2]).reshape(NS, NCH2, CHUNK)
    src2b = jnp.stack([src2, src2 + NT])
    dst2 = jnp.concatenate([dst, pad_idx2]).reshape(NS, NCH2, CHUNK)
    w2 = jnp.concatenate([w, jnp.zeros((pad2,), f32)]).reshape(NS, NCH2, CHUNK)

    zdeg = jnp.zeros((STRIPE, 16), f32)
    zrow = jnp.zeros((STRIPE, HF), f32)
    x_p = jnp.concatenate([x, jnp.zeros((NT - N, F), f32)])

    mesh = plsc.VectorSubcoreMesh(core_axis_name="c", subcore_axis_name="s")
    _cp = pltpu.CompilerParams()
    if "needs_layout_passes" in pltpu.CompilerParams.__dataclass_fields__:
        _cp = dataclasses.replace(_cp, needs_layout_passes=False)
    _cp_sc = dataclasses.replace(_cp, use_tc_tiling_on_sc=False,
                                 internal_scratch_in_bytes=0)

    @functools.partial(
        pl.kernel,
        out_type=jax.ShapeDtypeStruct((NC, NT, 16), f32),
        mesh=mesh,
        compiler_params=_cp_sc,
        scratch_types=[
            pltpu.VMEM((NCH2 // 2, CHUNK), i32),
            pltpu.VMEM((NCH2 // 2, CHUNK), f32),
            pltpu.VMEM((CHUNK, 16), f32),
            pltpu.VMEM_SHARED((NT, 16), f32),
        ],
    )
    def _deg(dst_hbm, w_hbm, z_hbm, out_hbm, dst_v, w_v, buf, deg_sh):
        c = lax.axis_index("c")
        s = lax.axis_index("s")
        half = NCH2 // 2
        pltpu.sync_copy(dst_hbm.at[s].at[pl.ds(c * half, half)], dst_v)
        pltpu.sync_copy(w_hbm.at[s].at[pl.ds(c * half, half)], w_v)
        pltpu.sync_copy(z_hbm.at[pl.ds(0, CHUNK)], buf)
        pltpu.sync_copy(z_hbm, deg_sh.at[pl.ds(s * STRIPE, STRIPE)])
        plsc.subcore_barrier()

        zero16 = jnp.zeros((16,), i32)
        iota16 = lax.broadcasted_iota(i32, (16,), 0)

        @pl.loop(0, NCH2 // 2)
        def _(j):
            for g16 in range(CHUNK // 16):
                wv = w_v[j, pl.ds(g16 * 16, 16)]
                plsc.store_scatter(buf, [iota16 + g16 * 16, zero16], wv)
            pltpu.sync_copy(buf, deg_sh.at[dst_v.at[j]], add=True)

        plsc.subcore_barrier()
        plsc.subcore_barrier()
        pltpu.sync_copy(deg_sh.at[pl.ds(s * STRIPE, STRIPE)],
                        out_hbm.at[c].at[pl.ds(s * STRIPE, STRIPE)])

    def _mm_body(x_ref, w_ref, h_ref):
        h_ref[...] = jnp.dot(x_ref[...], w_ref[...],
                             preferred_element_type=f32)

    _mm = pl.pallas_call(
        _mm_body, out_shape=jax.ShapeDtypeStruct((NT, F), f32))

    def _disg_body(dp_ref, h_ref, dis_ref, g_ref):
        deg = dp_ref[0, :, 0] + dp_ref[1, :, 0] + 1.0
        dis = lax.rsqrt(deg)
        dis_ref[...] = dis.reshape(NT, 1)
        hh = h_ref[...] * dis[:, None]
        g_ref[pl.ds(0, NT), :] = hh[:, 0:HF]
        g_ref[pl.ds(NT, NT), :] = hh[:, HF:F]

    _disg = pl.pallas_call(
        _disg_body,
        out_shape=(jax.ShapeDtypeStruct((NT, 1), f32),
                   jax.ShapeDtypeStruct((2 * NT, HF), f32)))

    @functools.partial(
        pl.kernel,
        out_type=jax.ShapeDtypeStruct((NC, NT, HF), f32),
        mesh=mesh,
        compiler_params=_cp_sc,
        scratch_types=[
            pltpu.VMEM((NCH2, CHUNK), i32),
            pltpu.VMEM((NCH2, CHUNK), i32),
            pltpu.VMEM((NCH2, CHUNK), f32),
            pltpu.VMEM((CHUNK, HF), f32),
            pltpu.VMEM((CHUNK, HF), f32),
            pltpu.VMEM_SHARED((NT, HF), f32),
            pltpu.SemaphoreType.DMA,
            pltpu.SemaphoreType.DMA,
        ],
    )
    def _scat(srcb_hbm, dst_hbm, w_hbm, g_hbm, z_hbm, out_hbm,
              src_v, dst_v, w_v, buf0, buf1, acc_sh, sem0, sem1):
        c = lax.axis_index("c")
        s = lax.axis_index("s")
        pltpu.sync_copy(srcb_hbm.at[c].at[s], src_v)
        pltpu.sync_copy(dst_hbm.at[s], dst_v)
        pltpu.sync_copy(w_hbm.at[s], w_v)
        pltpu.sync_copy(z_hbm, acc_sh.at[pl.ds(s * STRIPE, STRIPE)])
        plsc.subcore_barrier()

        def scale(buf, j):
            jv = jnp.full((16,), j, dtype=i32)

            @plsc.parallel_loop(0, CHUNK, 1, unroll=4)
            def _(r):
                wv = plsc.load_gather(w_v, [jv, jnp.full((16,), r, dtype=i32)])
                for g16 in range(HF // 16):
                    sl = pl.ds(g16 * 16, 16)
                    buf[r, sl] = buf[r, sl] * wv

        pltpu.async_copy(g_hbm.at[src_v.at[0]], buf0, sem0)

        @pl.loop(0, NCH2 // 2)
        def _(k):
            j = k * 2
            pltpu.async_copy(g_hbm.at[src_v.at[j + 1]], buf1, sem1)
            pltpu.make_async_copy(g_hbm.at[src_v.at[j]], buf0, sem0).wait()
            scale(buf0, j)
            pltpu.sync_copy(buf0, acc_sh.at[dst_v.at[j]], add=True)

            @pl.when(j + 2 < NCH2)
            def _():
                pltpu.async_copy(g_hbm.at[src_v.at[j + 2]], buf0, sem0)

            pltpu.make_async_copy(g_hbm.at[src_v.at[j + 1]], buf1, sem1).wait()
            scale(buf1, j + 1)
            pltpu.sync_copy(buf1, acc_sh.at[dst_v.at[j + 1]], add=True)

        plsc.subcore_barrier()
        pltpu.sync_copy(acc_sh.at[pl.ds(s * STRIPE, STRIPE)],
                        out_hbm.at[c].at[pl.ds(s * STRIPE, STRIPE)])

    def _emb_body(ap_ref, h_ref, dis_ref, b_ref, tr_ref, len_ref,
                  t_ref, o_ref):
        acc = jnp.concatenate([ap_ref[0], ap_ref[1]], axis=1)
        dis = dis_ref[...]
        emb = acc * dis + h_ref[...] * (dis * dis) + b_ref[...]
        t_ref[...] = jnp.maximum(emb, 0.0)
        t_ref[pl.ds(N, NPAD), :] = jnp.zeros((NPAD, F), f32)
        pos = lax.broadcasted_iota(i32, (B, L), 1)
        row = lax.broadcasted_iota(i32, (B, L), 0)
        flat = row * L + pos
        o_ref[...] = jnp.where(pos < len_ref[...], tr_ref[...],
                               N + (flat & (NPAD - 1)))

    _emb = pl.pallas_call(
        _emb_body, out_shape=(jax.ShapeDtypeStruct((NT, F), f32),
                              jax.ShapeDtypeStruct((B, L), i32)))

    @functools.partial(
        pl.kernel,
        out_type=jax.ShapeDtypeStruct((TOK, F), f32),
        mesh=mesh,
        scratch_types=[
            pltpu.VMEM((TCH, CHUNK), i32),
            pltpu.VMEM((CHUNK, F), f32),
            pltpu.VMEM((CHUNK, F), f32),
            pltpu.SemaphoreType.DMA,
            pltpu.SemaphoreType.DMA,
        ],
    )
    def _gat(t_hbm, idx_hbm, out_hbm, idx_v, buf0, buf1, sem0, sem1):
        c = lax.axis_index("c")
        s = lax.axis_index("s")
        wid = c * NS + s
        pltpu.sync_copy(idx_hbm.at[wid], idx_v)
        base = wid * TPW
        pltpu.async_copy(t_hbm.at[idx_v.at[0]], buf0, sem0)

        @pl.loop(0, TCH // 2)
        def _(k):
            j = k * 2
            pltpu.async_copy(t_hbm.at[idx_v.at[j + 1]], buf1, sem1)
            pltpu.make_async_copy(t_hbm.at[idx_v.at[j]], buf0, sem0).wait()
            pltpu.sync_copy(buf0, out_hbm.at[pl.ds(base + j * CHUNK, CHUNK)])

            @pl.when(j + 2 < TCH)
            def _():
                pltpu.async_copy(t_hbm.at[idx_v.at[j + 2]], buf0, sem0)

            pltpu.make_async_copy(t_hbm.at[idx_v.at[j + 1]], buf1, sem1).wait()
            pltpu.sync_copy(buf1, out_hbm.at[pl.ds(base + (j + 1) * CHUNK, CHUNK)])

    deg_parts = _deg(dst2, w2, zdeg)
    h = _mm(x_p, W)
    dis, g = _disg(deg_parts, h)
    acc_parts = _scat(src2b, dst2, w2, g, zrow)
    table, midx = _emb(acc_parts, h, dis, b.reshape(1, F),
                       traj_seqs.astype(i32),
                       seq_lengths.astype(i32).reshape(B, 1))
    out = _gat(table, midx.reshape(NW, TCH, CHUNK))
    return out.reshape(B, L, F), seq_lengths

# --- scband reference (transcript-rebuilt; emitter-appended) ---
"""Pipeline reference for scband-traj-embedding-59966333387390 (READ-ONLY COPY).

The authoritative reference and input builder live on the scoring server;
editing this copy changes nothing except your own understanding.
"""

import jax, jax.numpy as jnp
import numpy as np

N_NODES = 10000
FEAT = 128
EMB = 128
N_EDGES = 320000
B = 16
L = 2048


def setup_inputs(seed: int = 0) -> dict:
    key = jax.random.key(seed)
    k1, k2, k3, k4, k5, k6, k7 = jax.random.split(key, 7)
    x = jax.random.normal(k1, (N_NODES, FEAT), dtype=jnp.float32)
    edge_index = jax.random.randint(k2, (2, N_EDGES), 0, N_NODES, dtype=jnp.int64)
    edge_weight = jax.random.uniform(k3, (N_EDGES,), dtype=jnp.float32)
    traj_seqs = jax.random.randint(k4, (B, L), 0, N_NODES, dtype=jnp.int64)
    seq_lengths = jax.random.randint(k5, (B,), 0, L, dtype=jnp.int64)
    # GCNConv parameters (glorot weight + zero-init bias, as in PyG)
    W = jax.random.normal(k6, (FEAT, EMB), dtype=jnp.float32) * (1.0 / np.sqrt(FEAT))
    b = jnp.zeros((EMB,), dtype=jnp.float32)
    return {"x": x, "edge_index": edge_index, "edge_weight": edge_weight,
            "traj_seqs": traj_seqs, "seq_lengths": seq_lengths, "W": W, "b": b}


def _gcn_conv(x, edge_index, edge_weight, W, b):
    # Faithful GCNConv: add self loops (weight 1), symmetric normalization, linear, scatter-add, bias.
    n = x.shape[0]
    src = edge_index[0]
    dst = edge_index[1]
    loop = jnp.arange(n, dtype=src.dtype)
    src_full = jnp.concatenate([src, loop])
    dst_full = jnp.concatenate([dst, loop])
    w_full = jnp.concatenate([edge_weight, jnp.ones((n,), dtype=edge_weight.dtype)])
    deg = jax.ops.segment_sum(w_full, dst_full, num_segments=n)
    deg_inv_sqrt = jnp.where(deg > 0, 1.0 / jnp.sqrt(deg), 0.0)
    norm = deg_inv_sqrt[src_full] * w_full * deg_inv_sqrt[dst_full]
    h = x @ W
    msg = h[src_full] * norm[:, None]
    out = jax.ops.segment_sum(msg, dst_full, num_segments=n)
    return out + b


def reference(x, edge_index, edge_weight, traj_seqs, seq_lengths, W, b):
    # GCN embedding of the road network (dropout = identity at inference)
    node_embeddings = jax.nn.relu(_gcn_conv(x, edge_index, edge_weight, W, b))
    # gather node embeddings per trajectory token (padded gather)
    gathered = jnp.take(node_embeddings, traj_seqs, axis=0)  # [B, L, EMB]
    # zero out positions beyond each sequence length (matches zeros-init padded tensor)
    pos = jnp.arange(L, dtype=seq_lengths.dtype)[None, :]
    mask = (pos < seq_lengths[:, None]).astype(gathered.dtype)
    embedded_seq_tensor = gathered * mask[:, :, None]
    return embedded_seq_tensor, seq_lengths

if __name__ == "__main__":
    import jax
    _d = setup_inputs()
    print(jax.jit(kernel)(*tuple(_d.values())))

</pallas_src>

<mosaic_0001>
#map = affine_map<(d0, d1) -> (0, 0, 0)>
#map1 = affine_map<(d0, d1) -> (0, 0)>
module attributes {stable_mosaic.version = 14 : i64} {
  func.func @_deg(%arg0: i32, %arg1: i32, %arg2: memref<16x158x128xi32, #tpu.memory_space<hbm>>, %arg3: memref<16x158x128xf32, #tpu.memory_space<hbm>>, %arg4: memref<640x16xf32, #tpu.memory_space<hbm>>, %arg5: memref<2x10240x16xf32, #tpu.memory_space<hbm>>, %arg6: memref<79x128xi32, #tpu.memory_space<vmem>>, %arg7: memref<79x128xf32, #tpu.memory_space<vmem>>, %arg8: memref<128x16xf32, #tpu.memory_space<vmem>>, %arg9: memref<10240x16xf32, #tpu.memory_space<vmem_shared>>) attributes {dimension_semantics = [#tpu.dimension_semantics<core_parallel>, #tpu.dimension_semantics<subcore_parallel>], iteration_bounds = array<i64: 2, 16>, scalar_prefetch = 0 : i64, scratch_operands = 4 : i64, tpu.core_type = #tpu.core_type<sc_vector_subcore>, window_params = [{transform_indices = #map}, {transform_indices = #map}, {transform_indices = #map1}, {transform_indices = #map}]} {
    %mul3A = arith.constant 79 : i32
    %mul3A_0 = arith.muli %arg0, %mul3A : i32
    "tpu.region"() ({
      %run_scoped3A = tpu.sem_alloc : memref<!tpu.dma_semaphore, #tpu.memory_space<semaphore_mem>>
      %dma_start3A = arith.constant 0 : i32
      %dma_start3A_16 = arith.constant 0 : i32
      %dma_start3A_17 = tpu.memref_slice %arg2[%arg1, %dma_start3A, %dma_start3A_16] : memref<16x158x128xi32, #tpu.memory_space<hbm>> -> memref<1x158x128xi32, #tpu.memory_space<hbm>>
      %dma_start3A_18 = tpu.memref_squeeze %dma_start3A_17 : memref<1x158x128xi32, #tpu.memory_space<hbm>> -> memref<158x128xi32, #tpu.memory_space<hbm>>
      %dma_start3A_19 = arith.constant 0 : i32
      %dma_start3A_20 = tpu.memref_slice %dma_start3A_18[%mul3A_0, %dma_start3A_19] : memref<158x128xi32, #tpu.memory_space<hbm>> -> memref<79x128xi32, #tpu.memory_space<hbm>>
      %dma_start3A_21 = arith.constant 0 : i32
      %dma_start3A_22 = arith.constant 0 : i32
      %dma_start3A_23 = tpu.memref_slice %arg2[%arg1, %dma_start3A_21, %dma_start3A_22] : memref<16x158x128xi32, #tpu.memory_space<hbm>> -> memref<1x158x128xi32, #tpu.memory_space<hbm>>
      %dma_start3A_24 = tpu.memref_squeeze %dma_start3A_23 : memref<1x158x128xi32, #tpu.memory_space<hbm>> -> memref<158x128xi32, #tpu.memory_space<hbm>>
      %dma_start3A_25 = arith.constant 0 : i32
      %dma_start3A_26 = tpu.memref_slice %dma_start3A_24[%mul3A_0, %dma_start3A_25] : memref<158x128xi32, #tpu.memory_space<hbm>> -> memref<79x128xi32, #tpu.memory_space<hbm>>
      tpu.enqueue_dma source(%dma_start3A_26 : memref<79x128xi32, #tpu.memory_space<hbm>>) target(%arg6 : memref<79x128xi32, #tpu.memory_space<vmem>>) target_semaphore(%run_scoped3A : memref<!tpu.dma_semaphore, #tpu.memory_space<semaphore_mem>>)
      %dma_wait3A = arith.constant 0 : i32
      %dma_wait3A_27 = arith.constant 0 : i32
      %dma_wait3A_28 = tpu.memref_slice %arg2[%arg1, %dma_wait3A, %dma_wait3A_27] : memref<16x158x128xi32, #tpu.memory_space<hbm>> -> memref<1x158x128xi32, #tpu.memory_space<hbm>>
      %dma_wait3A_29 = tpu.memref_squeeze %dma_wait3A_28 : memref<1x158x128xi32, #tpu.memory_space<hbm>> -> memref<158x128xi32, #tpu.memory_space<hbm>>
      %dma_wait3A_30 = arith.constant 0 : i32
      %dma_wait3A_31 = tpu.memref_slice %dma_wait3A_29[%mul3A_0, %dma_wait3A_30] : memref<158x128xi32, #tpu.memory_space<hbm>> -> memref<79x128xi32, #tpu.memory_space<hbm>>
      %dma_wait3A_32 = arith.constant 0 : i32
      %dma_wait3A_33 = arith.constant 0 : i32
      %dma_wait3A_34 = tpu.memref_slice %arg2[%arg1, %dma_wait3A_32, %dma_wait3A_33] : memref<16x158x128xi32, #tpu.memory_space<hbm>> -> memref<1x158x128xi32, #tpu.memory_space<hbm>>
      %dma_wait3A_35 = tpu.memref_squeeze %dma_wait3A_34 : memref<1x158x128xi32, #tpu.memory_space<hbm>> -> memref<158x128xi32, #tpu.memory_space<hbm>>
      %dma_wait3A_36 = arith.constant 0 : i32
      %dma_wait3A_37 = tpu.memref_slice %dma_wait3A_35[%mul3A_0, %dma_wait3A_36] : memref<158x128xi32, #tpu.memory_space<hbm>> -> memref<79x128xi32, #tpu.memory_space<hbm>>
      tpu.wait_dma2 semaphore(%run_scoped3A : memref<!tpu.dma_semaphore, #tpu.memory_space<semaphore_mem>>) src(%dma_wait3A_37 : memref<79x128xi32, #tpu.memory_space<hbm>>) dst(%arg6 : memref<79x128xi32, #tpu.memory_space<vmem>>)
      tpu.yield
    }) : () -> ()
    %mul3A_1 = arith.constant 79 : i32
    %mul3A_2 = arith.muli %arg0, %mul3A_1 : i32
    "tpu.region"() ({
      %run_scoped3A = tpu.sem_alloc : memref<!tpu.dma_semaphore, #tpu.memory_space<semaphore_mem>>
      %dma_start3A = arith.constant 0 : i32
      %dma_start3A_16 = arith.constant 0 : i32
      %dma_start3A_17 = tpu.memref_slice %arg3[%arg1, %dma_start3A, %dma_start3A_16] : memref<16x158x128xf32, #tpu.memory_space<hbm>> -> memref<1x158x128xf32, #tpu.memory_space<hbm>>
      %dma_start3A_18 = tpu.memref_squeeze %dma_start3A_17 : memref<1x158x128xf32, #tpu.memory_space<hbm>> -> memref<158x128xf32, #tpu.memory_space<hbm>>
      %dma_start3A_19 = arith.constant 0 : i32
      %dma_start3A_20 = tpu.memref_slice %dma_start3A_18[%mul3A_2, %dma_start3A_19] : memref<158x128xf32, #tpu.memory_space<hbm>> -> memref<79x128xf32, #tpu.memory_space<hbm>>
      %dma_start3A_21 = arith.constant 0 : i32
      %dma_start3A_22 = arith.constant 0 : i32
      %dma_start3A_23 = tpu.memref_slice %arg3[%arg1, %dma_start3A_21, %dma_start3A_22] : memref<16x158x128xf32, #tpu.memory_space<hbm>> -> memref<1x158x128xf32, #tpu.memory_space<hbm>>
      %dma_start3A_24 = tpu.memref_squeeze %dma_start3A_23 : memref<1x158x128xf32, #tpu.memory_space<hbm>> -> memref<158x128xf32, #tpu.memory_space<hbm>>
      %dma_start3A_25 = arith.constant 0 : i32
      %dma_start3A_26 = tpu.memref_slice %dma_start3A_24[%mul3A_2, %dma_start3A_25] : memref<158x128xf32, #tpu.memory_space<hbm>> -> memref<79x128xf32, #tpu.memory_space<hbm>>
      tpu.enqueue_dma source(%dma_start3A_26 : memref<79x128xf32, #tpu.memory_space<hbm>>) target(%arg7 : memref<79x128xf32, #tpu.memory_space<vmem>>) target_semaphore(%run_scoped3A : memref<!tpu.dma_semaphore, #tpu.memory_space<semaphore_mem>>)
      %dma_wait3A = arith.constant 0 : i32
      %dma_wait3A_27 = arith.constant 0 : i32
      %dma_wait3A_28 = tpu.memref_slice %arg3[%arg1, %dma_wait3A, %dma_wait3A_27] : memref<16x158x128xf32, #tpu.memory_space<hbm>> -> memref<1x158x128xf32, #tpu.memory_space<hbm>>
      %dma_wait3A_29 = tpu.memref_squeeze %dma_wait3A_28 : memref<1x158x128xf32, #tpu.memory_space<hbm>> -> memref<158x128xf32, #tpu.memory_space<hbm>>
      %dma_wait3A_30 = arith.constant 0 : i32
      %dma_wait3A_31 = tpu.memref_slice %dma_wait3A_29[%mul3A_2, %dma_wait3A_30] : memref<158x128xf32, #tpu.memory_space<hbm>> -> memref<79x128xf32, #tpu.memory_space<hbm>>
      %dma_wait3A_32 = arith.constant 0 : i32
      %dma_wait3A_33 = arith.constant 0 : i32
      %dma_wait3A_34 = tpu.memref_slice %arg3[%arg1, %dma_wait3A_32, %dma_wait3A_33] : memref<16x158x128xf32, #tpu.memory_space<hbm>> -> memref<1x158x128xf32, #tpu.memory_space<hbm>>
      %dma_wait3A_35 = tpu.memref_squeeze %dma_wait3A_34 : memref<1x158x128xf32, #tpu.memory_space<hbm>> -> memref<158x128xf32, #tpu.memory_space<hbm>>
      %dma_wait3A_36 = arith.constant 0 : i32
      %dma_wait3A_37 = tpu.memref_slice %dma_wait3A_35[%mul3A_2, %dma_wait3A_36] : memref<158x128xf32, #tpu.memory_space<hbm>> -> memref<79x128xf32, #tpu.memory_space<hbm>>
      tpu.wait_dma2 semaphore(%run_scoped3A : memref<!tpu.dma_semaphore, #tpu.memory_space<semaphore_mem>>) src(%dma_wait3A_37 : memref<79x128xf32, #tpu.memory_space<hbm>>) dst(%arg7 : memref<79x128xf32, #tpu.memory_space<vmem>>)
      tpu.yield
    }) : () -> ()
    "tpu.region"() ({
      %run_scoped3A = tpu.sem_alloc : memref<!tpu.dma_semaphore, #tpu.memory_space<semaphore_mem>>
      %dma_start3A = arith.constant 0 : i32
      %dma_start3A_16 = arith.constant 0 : i32
      %dma_start3A_17 = tpu.memref_slice %arg4[%dma_start3A, %dma_start3A_16] : memref<640x16xf32, #tpu.memory_space<hbm>> -> memref<128x16xf32, #tpu.memory_space<hbm>>
      %dma_start3A_18 = arith.constant 0 : i32
      %dma_start3A_19 = arith.constant 0 : i32
      %dma_start3A_20 = tpu.memref_slice %arg4[%dma_start3A_18, %dma_start3A_19] : memref<640x16xf32, #tpu.memory_space<hbm>> -> memref<128x16xf32, #tpu.memory_space<hbm>>
      tpu.enqueue_dma source(%dma_start3A_20 : memref<128x16xf32, #tpu.memory_space<hbm>>) target(%arg8 : memref<128x16xf32, #tpu.memory_space<vmem>>) target_semaphore(%run_scoped3A : memref<!tpu.dma_semaphore, #tpu.memory_space<semaphore_mem>>)
      %dma_wait3A = arith.constant 0 : i32
      %dma_wait3A_21 = arith.constant 0 : i32
      %dma_wait3A_22 = tpu.memref_slice %arg4[%dma_wait3A, %dma_wait3A_21] : memref<640x16xf32, #tpu.memory_space<hbm>> -> memref<128x16xf32, #tpu.memory_space<hbm>>
      %dma_wait3A_23 = arith.constant 0 : i32
      %dma_wait3A_24 = arith.constant 0 : i32
      %dma_wait3A_25 = tpu.memref_slice %arg4[%dma_wait3A_23, %dma_wait3A_24] : memref<640x16xf32, #tpu.memory_space<hbm>> -> memref<128x16xf32, #tpu.memory_space<hbm>>
      tpu.wait_dma2 semaphore(%run_scoped3A : memref<!tpu.dma_semaphore, #tpu.memory_space<semaphore_mem>>) src(%dma_wait3A_25 : memref<128x16xf32, #tpu.memory_space<hbm>>) dst(%arg8 : memref<128x16xf32, #tpu.memory_space<vmem>>)
      tpu.yield
    }) : () -> ()
    %mul3A_3 = arith.constant 640 : i32
    %mul3A_4 = arith.muli %arg1, %mul3A_3 : i32
    "tpu.region"() ({
      %run_scoped3A = tpu.sem_alloc : memref<!tpu.dma_semaphore, #tpu.memory_space<semaphore_mem>>
      %dma_start3A = arith.constant 0 : i32
      %dma_start3A_16 = tpu.memref_slice %arg9[%mul3A_4, %dma_start3A] : memref<10240x16xf32, #tpu.memory_space<vmem_shared>> -> memref<640x16xf32, #tpu.memory_space<vmem_shared>>
      tpu.enqueue_dma source(%arg4 : memref<640x16xf32, #tpu.memory_space<hbm>>) target(%dma_start3A_16 : memref<640x16xf32, #tpu.memory_space<vmem_shared>>) target_semaphore(%run_scoped3A : memref<!tpu.dma_semaphore, #tpu.memory_space<semaphore_mem>>)
      %dma_wait3A = arith.constant 0 : i32
      %dma_wait3A_17 = tpu.memref_slice %arg9[%mul3A_4, %dma_wait3A] : memref<10240x16xf32, #tpu.memory_space<vmem_shared>> -> memref<640x16xf32, #tpu.memory_space<vmem_shared>>
      tpu.wait_dma2 semaphore(%run_scoped3A : memref<!tpu.dma_semaphore, #tpu.memory_space<semaphore_mem>>) src(%arg4 : memref<640x16xf32, #tpu.memory_space<hbm>>) dst(%dma_wait3A_17 : memref<640x16xf32, #tpu.memory_space<vmem_shared>>)
      tpu.yield
    }) : () -> ()
    %barrier3A = arith.constant 0 : index
    tpu.barrier barrier_id(%barrier3A)
    %broadcast_in_dim3A = arith.constant 0 : i32
    %broadcast_in_dim3A_5 = vector.broadcast %broadcast_in_dim3A : i32 to vector<16xi32>
    %iota3A = tpu.iota {dimensions = array<i32: 0>} : vector<16xi32>
    %scan3A = arith.constant 0 : i32
    %scan3A_6 = arith.constant 79 : i32
    %scan3A_7 = arith.addi %scan3A, %scan3A_6 : i32
    %scan3A_8 = arith.constant 1 : i32
    scf.for %scan3A_16 = %scan3A to %scan3A_7 step %scan3A_8  : i32 {
      %mul3A_17 = arith.constant 1 : i32
      %mul3A_18 = arith.muli %scan3A_16, %mul3A_17 : i32
      %add3A = arith.constant 0 : i32
      %add3A_19 = arith.addi %add3A, %mul3A_18 : i32
      %get3A = arith.index_cast %add3A_19 : i32 to index
      %get3A_20 = arith.constant 0 : index
      %get3A_21 = tpu.vector_load %arg7[%get3A, %get3A_20] {strides = array<i32>} : memref<79x128xf32, #tpu.memory_space<vmem>>, vector<16xf32>,
      %add3A_22 = arith.constant 0 : i32
      %add3A_23 = vector.broadcast %add3A_22 : i32 to vector<16xi32>
      %add3A_24 = arith.addi %iota3A, %add3A_23 : vector<16xi32>
      tpu.vector_store_idx %arg8[%add3A_24, %broadcast_in_dim3A_5], %get3A_21 : memref<128x16xf32, #tpu.memory_space<vmem>>[vector<16xi32>, vector<16xi32>], vector<16xf32>,
      %get3A_25 = arith.index_cast %add3A_19 : i32 to index
      %get3A_26 = arith.constant 16 : index
      %get3A_27 = tpu.vector_load %arg7[%get3A_25, %get3A_26] {strides = array<i32>} : memref<79x128xf32, #tpu.memory_space<vmem>>, vector<16xf32>,
      %add3A_28 = arith.constant 16 : i32
      %add3A_29 = vector.broadcast %add3A_28 : i32 to vector<16xi32>
      %add3A_30 = arith.addi %iota3A, %add3A_29 : vector<16xi32>
      tpu.vector_store_idx %arg8[%add3A_30, %broadcast_in_dim3A_5], %get3A_27 : memref<128x16xf32, #tpu.memory_space<vmem>>[vector<16xi32>, vector<16xi32>], vector<16xf32>,
      %get3A_31 = arith.index_cast %add3A_19 : i32 to index
      %get3A_32 = arith.constant 32 : index
      %get3A_33 = tpu.vector_load %arg7[%get3A_31, %get3A_32] {strides = array<i32>} : memref<79x128xf32, #tpu.memory_space<vmem>>, vector<16xf32>,
      %add3A_34 = arith.constant 32 : i32
      %add3A_35 = vector.broadcast %add3A_34 : i32 to vector<16xi32>
      %add3A_36 = arith.addi %iota3A, %add3A_35 : vector<16xi32>
      tpu.vector_store_idx %arg8[%add3A_36, %broadcast_in_dim3A_5], %get3A_33 : memref<128x16xf32, #tpu.memory_space<vmem>>[vector<16xi32>, vector<16xi32>], vector<16xf32>,
      %get3A_37 = arith.index_cast %add3A_19 : i32 to index
      %get3A_38 = arith.constant 48 : index
      %get3A_39 = tpu.vector_load %arg7[%get3A_37, %get3A_38] {strides = array<i32>} : memref<79x128xf32, #tpu.memory_space<vmem>>, vector<16xf32>,
      %add3A_40 = arith.constant 48 : i32
      %add3A_41 = vector.broadcast %add3A_40 : i32 to vector<16xi32>
      %add3A_42 = arith.addi %iota3A, %add3A_41 : vector<16xi32>
      tpu.vector_store_idx %arg8[%add3A_42, %broadcast_in_dim3A_5], %get3A_39 : memref<128x16xf32, #tpu.memory_space<vmem>>[vector<16xi32>, vector<16xi32>], vector<16xf32>,
      %get3A_43 = arith.index_cast %add3A_19 : i32 to index
      %get3A_44 = arith.constant 64 : index
      %get3A_45 = tpu.vector_load %arg7[%get3A_43, %get3A_44] {strides = array<i32>} : memref<79x128xf32, #tpu.memory_space<vmem>>, vector<16xf32>,
      %add3A_46 = arith.constant 64 : i32
      %add3A_47 = vector.broadcast %add3A_46 : i32 to vector<16xi32>
      %add3A_48 = arith.addi %iota3A, %add3A_47 : vector<16xi32>
      tpu.vector_store_idx %arg8[%add3A_48, %broadcast_in_dim3A_5], %get3A_45 : memref<128x16xf32, #tpu.memory_space<vmem>>[vector<16xi32>, vector<16xi32>], vector<16xf32>,
      %get3A_49 = arith.index_cast %add3A_19 : i32 to index
      %get3A_50 = arith.constant 80 : index
      %get3A_51 = tpu.vector_load %arg7[%get3A_49, %get3A_50] {strides = array<i32>} : memref<79x128xf32, #tpu.memory_space<vmem>>, vector<16xf32>,
      %add3A_52 = arith.constant 80 : i32
      %add3A_53 = vector.broadcast %add3A_52 : i32 to vector<16xi32>
      %add3A_54 = arith.addi %iota3A, %add3A_53 : vector<16xi32>
      tpu.vector_store_idx %arg8[%add3A_54, %broadcast_in_dim3A_5], %get3A_51 : memref<128x16xf32, #tpu.memory_space<vmem>>[vector<16xi32>, vector<16xi32>], vector<16xf32>,
      %get3A_55 = arith.index_cast %add3A_19 : i32 to index
      %get3A_56 = arith.constant 96 : index
      %get3A_57 = tpu.vector_load %arg7[%get3A_55, %get3A_56] {strides = array<i32>} : memref<79x128xf32, #tpu.memory_space<vmem>>, vector<16xf32>,
      %add3A_58 = arith.constant 96 : i32
      %add3A_59 = vector.broadcast %add3A_58 : i32 to vector<16xi32>
      %add3A_60 = arith.addi %iota3A, %add3A_59 : vector<16xi32>
      tpu.vector_store_idx %arg8[%add3A_60, %broadcast_in_dim3A_5], %get3A_57 : memref<128x16xf32, #tpu.memory_space<vmem>>[vector<16xi32>, vector<16xi32>], vector<16xf32>,
      %get3A_61 = arith.index_cast %add3A_19 : i32 to index
      %get3A_62 = arith.constant 112 : index
      %get3A_63 = tpu.vector_load %arg7[%get3A_61, %get3A_62] {strides = array<i32>} : memref<79x128xf32, #tpu.memory_space<vmem>>, vector<16xf32>,
      %add3A_64 = arith.constant 112 : i32
      %add3A_65 = vector.broadcast %add3A_64 : i32 to vector<16xi32>
      %add3A_66 = arith.addi %iota3A, %add3A_65 : vector<16xi32>
      tpu.vector_store_idx %arg8[%add3A_66, %broadcast_in_dim3A_5], %get3A_63 : memref<128x16xf32, #tpu.memory_space<vmem>>[vector<16xi32>, vector<16xi32>], vector<16xf32>,
      "tpu.region"() ({
        %run_scoped3A = tpu.sem_alloc : memref<!tpu.dma_semaphore, #tpu.memory_space<semaphore_mem>>
        %dma_start3A = arith.constant 0 : i32
        %dma_start3A_67 = tpu.memref_slice %arg6[%add3A_19, %dma_start3A] : memref<79x128xi32, #tpu.memory_space<vmem>> -> memref<1x128xi32, #tpu.memory_space<vmem>>
        %dma_start3A_68 = tpu.memref_squeeze %dma_start3A_67 : memref<1x128xi32, #tpu.memory_space<vmem>> -> memref<128xi32, #tpu.memory_space<vmem>>
        %dma_start3A_69 = arith.constant 0 : i32
        %dma_start3A_70 = arith.constant 0 : i32
        %dma_start3A_71 = tpu.memref_slice %arg9[%dma_start3A_69, %dma_start3A_70] : memref<10240x16xf32, #tpu.memory_space<vmem_shared>> -> memref<10240x16xf32, #tpu.memory_space<vmem_shared>>
        tpu.enqueue_indirect_dma source(%arg8 : memref<128x16xf32, #tpu.memory_space<vmem>>) target(%dma_start3A_71 : memref<10240x16xf32, #tpu.memory_space<vmem_shared>>) offsets(%dma_start3A_68 : memref<128xi32, #tpu.memory_space<vmem>>) semaphore(%run_scoped3A : memref<!tpu.dma_semaphore, #tpu.memory_space<semaphore_mem>>) {add = true}
        %dma_wait3A = arith.constant 0 : i32
        %dma_wait3A_72 = tpu.memref_slice %arg6[%add3A_19, %dma_wait3A] : memref<79x128xi32, #tpu.memory_space<vmem>> -> memref<1x128xi32, #tpu.memory_space<vmem>>
        %dma_wait3A_73 = tpu.memref_squeeze %dma_wait3A_72 : memref<1x128xi32, #tpu.memory_space<vmem>> -> memref<128xi32, #tpu.memory_space<vmem>>
        %dma_wait3A_74 = arith.constant 0 : i32
        %dma_wait3A_75 = arith.constant 0 : i32
        %dma_wait3A_76 = tpu.memref_slice %arg9[%dma_wait3A_74, %dma_wait3A_75] : memref<10240x16xf32, #tpu.memory_space<vmem_shared>> -> memref<10240x16xf32, #tpu.memory_space<vmem_shared>>
        tpu.wait_indirect_dma semaphore(%run_scoped3A : memref<!tpu.dma_semaphore, #tpu.memory_space<semaphore_mem>>) src(%arg8 : memref<128x16xf32, #tpu.memory_space<vmem>>) dst(%dma_wait3A_76 : memref<10240x16xf32, #tpu.memory_space<vmem_shared>>)
        tpu.yield
      }) : () -> ()
    }
    %scan3A_9 = arith.constant 79 : i32
    %barrier3A_10 = arith.constant 0 : index
    tpu.barrier barrier_id(%barrier3A_10)
    %barrier3A_11 = arith.constant 0 : index
    tpu.barrier barrier_id(%barrier3A_11)
    %mul3A_12 = arith.constant 640 : i32
    %mul3A_13 = arith.muli %arg1, %mul3A_12 : i32
    %mul3A_14 = arith.constant 640 : i32
    %mul3A_15 = arith.muli %arg1, %mul3A_14 : i32
    "tpu.region"() ({
      %run_scoped3A = tpu.sem_alloc : memref<!tpu.dma_semaphore, #tpu.memory_space<semaphore_mem>>
      %dma_start3A = arith.constant 0 : i32
      %dma_start3A_16 = arith.constant 0 : i32
      %dma_start3A_17 = tpu.memref_slice %arg5[%arg0, %dma_start3A, %dma_start3A_16] : memref<2x10240x16xf32, #tpu.memory_space<hbm>> -> memref<1x10240x16xf32, #tpu.memory_space<hbm>>
      %dma_start3A_18 = tpu.memref_squeeze %dma_start3A_17 : memref<1x10240x16xf32, #tpu.memory_space<hbm>> -> memref<10240x16xf32, #tpu.memory_space<hbm>>
      %dma_start3A_19 = arith.constant 0 : i32
      %dma_start3A_20 = tpu.memref_slice %dma_start3A_18[%mul3A_15, %dma_start3A_19] : memref<10240x16xf32, #tpu.memory_space<hbm>> -> memref<640x16xf32, #tpu.memory_space<hbm>>
      %dma_start3A_21 = arith.constant 0 : i32
      %dma_start3A_22 = tpu.memref_slice %arg9[%mul3A_13, %dma_start3A_21] : memref<10240x16xf32, #tpu.memory_space<vmem_shared>> -> memref<640x16xf32, #tpu.memory_space<vmem_shared>>
      tpu.enqueue_dma source(%dma_start3A_22 : memref<640x16xf32, #tpu.memory_space<vmem_shared>>) target(%dma_start3A_20 : memref<640x16xf32, #tpu.memory_space<hbm>>) target_semaphore(%run_scoped3A : memref<!tpu.dma_semaphore, #tpu.memory_space<semaphore_mem>>)
      %dma_wait3A = arith.constant 0 : i32
      %dma_wait3A_23 = arith.constant 0 : i32
      %dma_wait3A_24 = tpu.memref_slice %arg5[%arg0, %dma_wait3A, %dma_wait3A_23] : memref<2x10240x16xf32, #tpu.memory_space<hbm>> -> memref<1x10240x16xf32, #tpu.memory_space<hbm>>
      %dma_wait3A_25 = tpu.memref_squeeze %dma_wait3A_24 : memref<1x10240x16xf32, #tpu.memory_space<hbm>> -> memref<10240x16xf32, #tpu.memory_space<hbm>>
      %dma_wait3A_26 = arith.constant 0 : i32
      %dma_wait3A_27 = tpu.memref_slice %dma_wait3A_25[%mul3A_15, %dma_wait3A_26] : memref<10240x16xf32, #tpu.memory_space<hbm>> -> memref<640x16xf32, #tpu.memory_space<hbm>>
      %dma_wait3A_28 = arith.constant 0 : i32
      %dma_wait3A_29 = tpu.memref_slice %arg9[%mul3A_13, %dma_wait3A_28] : memref<10240x16xf32, #tpu.memory_space<vmem_shared>> -> memref<640x16xf32, #tpu.memory_space<vmem_shared>>
      tpu.wait_dma2 semaphore(%run_scoped3A : memref<!tpu.dma_semaphore, #tpu.memory_space<semaphore_mem>>) src(%dma_wait3A_29 : memref<640x16xf32, #tpu.memory_space<vmem_shared>>) dst(%dma_wait3A_27 : memref<640x16xf32, #tpu.memory_space<hbm>>)
      tpu.yield
    }) : () -> ()
    return
  }
}

#map = affine_map<(d0, d1) -> (0, 0)>
#map1 = affine_map<(d0, d1) -> (0, 0, 0)>
module attributes {stable_mosaic.version = 14 : i64} {
  func.func @_gat(%arg0: i32, %arg1: i32, %arg2: memref<10240x128xf32, #tpu.memory_space<hbm>>, %arg3: memref<32x8x128xi32, #tpu.memory_space<hbm>>, %arg4: memref<32768x128xf32, #tpu.memory_space<hbm>>, %arg5: memref<8x128xi32, #tpu.memory_space<vmem>>, %arg6: memref<128x128xf32, #tpu.memory_space<vmem>>, %arg7: memref<128x128xf32, #tpu.memory_space<vmem>>, %arg8: memref<!tpu.dma_semaphore, #tpu.memory_space<semaphore_mem>>, %arg9: memref<!tpu.dma_semaphore, #tpu.memory_space<semaphore_mem>>) attributes {dimension_semantics = [#tpu.dimension_semantics<core_parallel>, #tpu.dimension_semantics<subcore_parallel>], iteration_bounds = array<i64: 2, 16>, scalar_prefetch = 0 : i64, scratch_operands = 5 : i64, tpu.core_type = #tpu.core_type<sc_vector_subcore>, window_params = [{transform_indices = #map}, {transform_indices = #map1}, {transform_indices = #map}]} {
    %mul3A = arith.constant 16 : i32
    %mul3A_0 = arith.muli %arg0, %mul3A : i32
    %add3A = arith.addi %mul3A_0, %arg1 : i32
    "tpu.region"() ({
      %run_scoped3A = tpu.sem_alloc : memref<!tpu.dma_semaphore, #tpu.memory_space<semaphore_mem>>
      %dma_start3A_13 = arith.constant 0 : i32
      %dma_start3A_14 = arith.constant 0 : i32
      %dma_start3A_15 = tpu.memref_slice %arg3[%add3A, %dma_start3A_13, %dma_start3A_14] : memref<32x8x128xi32, #tpu.memory_space<hbm>> -> memref<1x8x128xi32, #tpu.memory_space<hbm>>
      %dma_start3A_16 = tpu.memref_squeeze %dma_start3A_15 : memref<1x8x128xi32, #tpu.memory_space<hbm>> -> memref<8x128xi32, #tpu.memory_space<hbm>>
      %dma_start3A_17 = arith.constant 0 : i32
      %dma_start3A_18 = arith.constant 0 : i32
      %dma_start3A_19 = tpu.memref_slice %arg3[%add3A, %dma_start3A_17, %dma_start3A_18] : memref<32x8x128xi32, #tpu.memory_space<hbm>> -> memref<1x8x128xi32, #tpu.memory_space<hbm>>
      %dma_start3A_20 = tpu.memref_squeeze %dma_start3A_19 : memref<1x8x128xi32, #tpu.memory_space<hbm>> -> memref<8x128xi32, #tpu.memory_space<hbm>>
      tpu.enqueue_dma source(%dma_start3A_20 : memref<8x128xi32, #tpu.memory_space<hbm>>) target(%arg5 : memref<8x128xi32, #tpu.memory_space<vmem>>) target_semaphore(%run_scoped3A : memref<!tpu.dma_semaphore, #tpu.memory_space<semaphore_mem>>)
      %dma_wait3A = arith.constant 0 : i32
      %dma_wait3A_21 = arith.constant 0 : i32
      %dma_wait3A_22 = tpu.memref_slice %arg3[%add3A, %dma_wait3A, %dma_wait3A_21] : memref<32x8x128xi32, #tpu.memory_space<hbm>> -> memref<1x8x128xi32, #tpu.memory_space<hbm>>
      %dma_wait3A_23 = tpu.memref_squeeze %dma_wait3A_22 : memref<1x8x128xi32, #tpu.memory_space<hbm>> -> memref<8x128xi32, #tpu.memory_space<hbm>>
      %dma_wait3A_24 = arith.constant 0 : i32
      %dma_wait3A_25 = arith.constant 0 : i32
      %dma_wait3A_26 = tpu.memref_slice %arg3[%add3A, %dma_wait3A_24, %dma_wait3A_25] : memref<32x8x128xi32, #tpu.memory_space<hbm>> -> memref<1x8x128xi32, #tpu.memory_space<hbm>>
      %dma_wait3A_27 = tpu.memref_squeeze %dma_wait3A_26 : memref<1x8x128xi32, #tpu.memory_space<hbm>> -> memref<8x128xi32, #tpu.memory_space<hbm>>
      tpu.wait_dma2 semaphore(%run_scoped3A : memref<!tpu.dma_semaphore, #tpu.memory_space<semaphore_mem>>) src(%dma_wait3A_27 : memref<8x128xi32, #tpu.memory_space<hbm>>) dst(%arg5 : memref<8x128xi32, #tpu.memory_space<vmem>>)
      tpu.yield
    }) : () -> ()
    %mul3A_1 = arith.constant 1024 : i32
    %mul3A_2 = arith.muli %add3A, %mul3A_1 : i32
    %dma_start3A = arith.constant 0 : i32
    %dma_start3A_3 = arith.constant 0 : i32
    %dma_start3A_4 = tpu.memref_slice %arg5[%dma_start3A, %dma_start3A_3] : memref<8x128xi32, #tpu.memory_space<vmem>> -> memref<1x128xi32, #tpu.memory_space<vmem>>
    %dma_start3A_5 = tpu.memref_squeeze %dma_start3A_4 : memref<1x128xi32, #tpu.memory_space<vmem>> -> memref<128xi32, #tpu.memory_space<vmem>>
    %dma_start3A_6 = arith.constant 0 : i32
    %dma_start3A_7 = arith.constant 0 : i32
    %dma_start3A_8 = tpu.memref_slice %arg2[%dma_start3A_6, %dma_start3A_7] : memref<10240x128xf32, #tpu.memory_space<hbm>> -> memref<10240x128xf32, #tpu.memory_space<hbm>>
    tpu.enqueue_indirect_dma source(%dma_start3A_8 : memref<10240x128xf32, #tpu.memory_space<hbm>>) target(%arg6 : memref<128x128xf32, #tpu.memory_space<vmem>>) offsets(%dma_start3A_5 : memref<128xi32, #tpu.memory_space<vmem>>) semaphore(%arg8 : memref<!tpu.dma_semaphore, #tpu.memory_space<semaphore_mem>>)
    %scan3A = arith.constant 0 : i32
    %scan3A_9 = arith.constant 4 : i32
    %scan3A_10 = arith.addi %scan3A, %scan3A_9 : i32
    %scan3A_11 = arith.constant 1 : i32
    scf.for %scan3A_13 = %scan3A to %scan3A_10 step %scan3A_11  : i32 {
      %mul3A_14 = arith.constant 1 : i32
      %mul3A_15 = arith.muli %scan3A_13, %mul3A_14 : i32
      %add3A_16 = arith.constant 0 : i32
      %add3A_17 = arith.addi %add3A_16, %mul3A_15 : i32
      %mul3A_18 = arith.constant 2 : i32
      %mul3A_19 = arith.muli %add3A_17, %mul3A_18 : i32
      %add3A_20 = arith.constant 1 : i32
      %add3A_21 = arith.addi %mul3A_19, %add3A_20 : i32
      %dma_start3A_22 = arith.constant 0 : i32
      %dma_start3A_23 = tpu.memref_slice %arg5[%add3A_21, %dma_start3A_22] : memref<8x128xi32, #tpu.memory_space<vmem>> -> memref<1x128xi32, #tpu.memory_space<vmem>>
      %dma_start3A_24 = tpu.memref_squeeze %dma_start3A_23 : memref<1x128xi32, #tpu.memory_space<vmem>> -> memref<128xi32, #tpu.memory_space<vmem>>
      %dma_start3A_25 = arith.constant 0 : i32
      %dma_start3A_26 = arith.constant 0 : i32
      %dma_start3A_27 = tpu.memref_slice %arg2[%dma_start3A_25, %dma_start3A_26] : memref<10240x128xf32, #tpu.memory_space<hbm>> -> memref<10240x128xf32, #tpu.memory_space<hbm>>
      tpu.enqueue_indirect_dma source(%dma_start3A_27 : memref<10240x128xf32, #tpu.memory_space<hbm>>) target(%arg7 : memref<128x128xf32, #tpu.memory_space<vmem>>) offsets(%dma_start3A_24 : memref<128xi32, #tpu.memory_space<vmem>>) semaphore(%arg9 : memref<!tpu.dma_semaphore, #tpu.memory_space<semaphore_mem>>)
      %dma_wait3A = arith.constant 0 : i32
      %dma_wait3A_28 = tpu.memref_slice %arg5[%mul3A_19, %dma_wait3A] : memref<8x128xi32, #tpu.memory_space<vmem>> -> memref<1x128xi32, #tpu.memory_space<vmem>>
      %dma_wait3A_29 = tpu.memref_squeeze %dma_wait3A_28 : memref<1x128xi32, #tpu.memory_space<vmem>> -> memref<128xi32, #tpu.memory_space<vmem>>
      %dma_wait3A_30 = arith.constant 0 : i32
      %dma_wait3A_31 = arith.constant 0 : i32
      %dma_wait3A_32 = tpu.memref_slice %arg2[%dma_wait3A_30, %dma_wait3A_31] : memref<10240x128xf32, #tpu.memory_space<hbm>> -> memref<10240x128xf32, #tpu.memory_space<hbm>>
      tpu.wait_indirect_dma semaphore(%arg8 : memref<!tpu.dma_semaphore, #tpu.memory_space<semaphore_mem>>) src(%dma_wait3A_32 : memref<10240x128xf32, #tpu.memory_space<hbm>>) dst(%arg6 : memref<128x128xf32, #tpu.memory_space<vmem>>)
      %mul3A_33 = arith.constant 128 : i32
      %mul3A_34 = arith.muli %mul3A_19, %mul3A_33 : i32
      %add3A_35 = arith.addi %mul3A_2, %mul3A_34 : i32
      "tpu.region"() ({
        %run_scoped3A = tpu.sem_alloc : memref<!tpu.dma_semaphore, #tpu.memory_space<semaphore_mem>>
        %dma_start3A_53 = arith.constant 0 : i32
        %dma_start3A_54 = tpu.memref_slice %arg4[%add3A_35, %dma_start3A_53] : memref<32768x128xf32, #tpu.memory_space<hbm>> -> memref<128x128xf32, #tpu.memory_space<hbm>>
        %dma_start3A_55 = arith.constant 0 : i32
        %dma_start3A_56 = tpu.memref_slice %arg4[%add3A_35, %dma_start3A_55] : memref<32768x128xf32, #tpu.memory_space<hbm>> -> memref<128x128xf32, #tpu.memory_space<hbm>>
        tpu.enqueue_dma source(%arg6 : memref<128x128xf32, #tpu.memory_space<vmem>>) target(%dma_start3A_56 : memref<128x128xf32, #tpu.memory_space<hbm>>) target_semaphore(%run_scoped3A : memref<!tpu.dma_semaphore, #tpu.memory_space<semaphore_mem>>)
        %dma_wait3A_57 = arith.constant 0 : i32
        %dma_wait3A_58 = tpu.memref_slice %arg4[%add3A_35, %dma_wait3A_57] : memref<32768x128xf32, #tpu.memory_space<hbm>> -> memref<128x128xf32, #tpu.memory_space<hbm>>
        %dma_wait3A_59 = arith.constant 0 : i32
        %dma_wait3A_60 = tpu.memref_slice %arg4[%add3A_35, %dma_wait3A_59] : memref<32768x128xf32, #tpu.memory_space<hbm>> -> memref<128x128xf32, #tpu.memory_space<hbm>>
        tpu.wait_dma2 semaphore(%run_scoped3A : memref<!tpu.dma_semaphore, #tpu.memory_space<semaphore_mem>>) src(%arg6 : memref<128x128xf32, #tpu.memory_space<vmem>>) dst(%dma_wait3A_60 : memref<128x128xf32, #tpu.memory_space<hbm>>)
        tpu.yield
      }) : () -> ()
      %add3A_36 = arith.constant 2 : i32
      %add3A_37 = arith.addi %mul3A_19, %add3A_36 : i32
      %lt3A = arith.constant 8 : i32
      %lt3A_38 = arith.cmpi slt, %add3A_37, %lt3A : i32
      %convert_element_type3A = arith.extui %lt3A_38 : i1 to i32
      %cond3A = arith.constant 0 : i32
      %cond3A_39 = arith.cmpi ne, %convert_element_type3A, %cond3A : i32
      scf.if %cond3A_39 {
        %add3A_53 = arith.constant 2 : i32
        %add3A_54 = arith.addi %mul3A_19, %add3A_53 : i32
        %dma_start3A_55 = arith.constant 0 : i32
        %dma_start3A_56 = tpu.memref_slice %arg5[%add3A_54, %dma_start3A_55] : memref<8x128xi32, #tpu.memory_space<vmem>> -> memref<1x128xi32, #tpu.memory_space<vmem>>
        %dma_start3A_57 = tpu.memref_squeeze %dma_start3A_56 : memref<1x128xi32, #tpu.memory_space<vmem>> -> memref<128xi32, #tpu.memory_space<vmem>>
        %dma_start3A_58 = arith.constant 0 : i32
        %dma_start3A_59 = arith.constant 0 : i32
        %dma_start3A_60 = tpu.memref_slice %arg2[%dma_start3A_58, %dma_start3A_59] : memref<10240x128xf32, #tpu.memory_space<hbm>> -> memref<10240x128xf32, #tpu.memory_space<hbm>>
        tpu.enqueue_indirect_dma source(%dma_start3A_60 : memref<10240x128xf32, #tpu.memory_space<hbm>>) target(%arg6 : memref<128x128xf32, #tpu.memory_space<vmem>>) offsets(%dma_start3A_57 : memref<128xi32, #tpu.memory_space<vmem>>) semaphore(%arg8 : memref<!tpu.dma_semaphore, #tpu.memory_space<semaphore_mem>>)
      } else {
      }
      %add3A_40 = arith.constant 1 : i32
      %add3A_41 = arith.addi %mul3A_19, %add3A_40 : i32
      %dma_wait3A_42 = arith.constant 0 : i32
      %dma_wait3A_43 = tpu.memref_slice %arg5[%add3A_41, %dma_wait3A_42] : memref<8x128xi32, #tpu.memory_space<vmem>> -> memref<1x128xi32, #tpu.memory_space<vmem>>
      %dma_wait3A_44 = tpu.memref_squeeze %dma_wait3A_43 : memref<1x128xi32, #tpu.memory_space<vmem>> -> memref<128xi32, #tpu.memory_space<vmem>>
      %dma_wait3A_45 = arith.constant 0 : i32
      %dma_wait3A_46 = arith.constant 0 : i32
      %dma_wait3A_47 = tpu.memref_slice %arg2[%dma_wait3A_45, %dma_wait3A_46] : memref<10240x128xf32, #tpu.memory_space<hbm>> -> memref<10240x128xf32, #tpu.memory_space<hbm>>
      tpu.wait_indirect_dma semaphore(%arg9 : memref<!tpu.dma_semaphore, #tpu.memory_space<semaphore_mem>>) src(%dma_wait3A_47 : memref<10240x128xf32, #tpu.memory_space<hbm>>) dst(%arg7 : memref<128x128xf32, #tpu.memory_space<vmem>>)
      %add3A_48 = arith.constant 1 : i32
      %add3A_49 = arith.addi %mul3A_19, %add3A_48 : i32
      %mul3A_50 = arith.constant 128 : i32
      %mul3A_51 = arith.muli %add3A_49, %mul3A_50 : i32
      %add3A_52 = arith.addi %mul3A_2, %mul3A_51 : i32
      "tpu.region"() ({
        %run_scoped3A = tpu.sem_alloc : memref<!tpu.dma_semaphore, #tpu.memory_space<semaphore_mem>>
        %dma_start3A_53 = arith.constant 0 : i32
        %dma_start3A_54 = tpu.memref_slice %arg4[%add3A_52, %dma_start3A_53] : memref<32768x128xf32, #tpu.memory_space<hbm>> -> memref<128x128xf32, #tpu.memory_space<hbm>>
        %dma_start3A_55 = arith.constant 0 : i32
        %dma_start3A_56 = tpu.memref_slice %arg4[%add3A_52, %dma_start3A_55] : memref<32768x128xf32, #tpu.memory_space<hbm>> -> memref<128x128xf32, #tpu.memory_space<hbm>>
        tpu.enqueue_dma source(%arg7 : memref<128x128xf32, #tpu.memory_space<vmem>>) target(%dma_start3A_56 : memref<128x128xf32, #tpu.memory_space<hbm>>) target_semaphore(%run_scoped3A : memref<!tpu.dma_semaphore, #tpu.memory_space<semaphore_mem>>)
        %dma_wait3A_57 = arith.constant 0 : i32
        %dma_wait3A_58 = tpu.memref_slice %arg4[%add3A_52, %dma_wait3A_57] : memref<32768x128xf32, #tpu.memory_space<hbm>> -> memref<128x128xf32, #tpu.memory_space<hbm>>
        %dma_wait3A_59 = arith.constant 0 : i32
        %dma_wait3A_60 = tpu.memref_slice %arg4[%add3A_52, %dma_wait3A_59] : memref<32768x128xf32, #tpu.memory_space<hbm>> -> memref<128x128xf32, #tpu.memory_space<hbm>>
        tpu.wait_dma2 semaphore(%run_scoped3A : memref<!tpu.dma_semaphore, #tpu.memory_space<semaphore_mem>>) src(%arg7 : memref<128x128xf32, #tpu.memory_space<vmem>>) dst(%dma_wait3A_60 : memref<128x128xf32, #tpu.memory_space<hbm>>)
        tpu.yield
      }) : () -> ()
    }
    %scan3A_12 = arith.constant 4 : i32
    return
  }
}

#map = affine_map<(d0, d1) -> (0, 0, 0, 0)>
#map1 = affine_map<(d0, d1) -> (0, 0, 0)>
#map2 = affine_map<(d0, d1) -> (0, 0)>
module attributes {stable_mosaic.version = 14 : i64} {
  func.func @_scat(%arg0: i32, %arg1: i32, %arg2: memref<2x16x158x128xi32, #tpu.memory_space<hbm>>, %arg3: memref<16x158x128xi32, #tpu.memory_space<hbm>>, %arg4: memref<16x158x128xf32, #tpu.memory_space<hbm>>, %arg5: memref<20480x64xf32, #tpu.memory_space<hbm>>, %arg6: memref<640x64xf32, #tpu.memory_space<hbm>>, %arg7: memref<2x10240x64xf32, #tpu.memory_space<hbm>>, %arg8: memref<158x128xi32, #tpu.memory_space<vmem>>, %arg9: memref<158x128xi32, #tpu.memory_space<vmem>>, %arg10: memref<158x128xf32, #tpu.memory_space<vmem>>, %arg11: memref<128x64xf32, #tpu.memory_space<vmem>>, %arg12: memref<128x64xf32, #tpu.memory_space<vmem>>, %arg13: memref<10240x64xf32, #tpu.memory_space<vmem_shared>>, %arg14: memref<!tpu.dma_semaphore, #tpu.memory_space<semaphore_mem>>, %arg15: memref<!tpu.dma_semaphore, #tpu.memory_space<semaphore_mem>>) attributes {dimension_semantics = [#tpu.dimension_semantics<core_parallel>, #tpu.dimension_semantics<subcore_parallel>], iteration_bounds = array<i64: 2, 16>, scalar_prefetch = 0 : i64, scratch_operands = 8 : i64, tpu.core_type = #tpu.core_type<sc_vector_subcore>, window_params = [{transform_indices = #map}, {transform_indices = #map1}, {transform_indices = #map1}, {transform_indices = #map2}, {transform_indices = #map2}, {transform_indices = #map1}]} {
    "tpu.region"() ({
      %run_scoped3A = tpu.sem_alloc : memref<!tpu.dma_semaphore, #tpu.memory_space<semaphore_mem>>
      %dma_start3A_16 = arith.constant 0 : i32
      %dma_start3A_17 = arith.constant 0 : i32
      %dma_start3A_18 = arith.constant 0 : i32
      %dma_start3A_19 = tpu.memref_slice %arg2[%arg0, %dma_start3A_16, %dma_start3A_17, %dma_start3A_18] : memref<2x16x158x128xi32, #tpu.memory_space<hbm>> -> memref<1x16x158x128xi32, #tpu.memory_space<hbm>>
      %dma_start3A_20 = tpu.memref_squeeze %dma_start3A_19 : memref<1x16x158x128xi32, #tpu.memory_space<hbm>> -> memref<16x158x128xi32, #tpu.memory_space<hbm>>
      %dma_start3A_21 = arith.constant 0 : i32
      %dma_start3A_22 = arith.constant 0 : i32
      %dma_start3A_23 = tpu.memref_slice %dma_start3A_20[%arg1, %dma_start3A_21, %dma_start3A_22] : memref<16x158x128xi32, #tpu.memory_space<hbm>> -> memref<1x158x128xi32, #tpu.memory_space<hbm>>
      %dma_start3A_24 = tpu.memref_squeeze %dma_start3A_23 : memref<1x158x128xi32, #tpu.memory_space<hbm>> -> memref<158x128xi32, #tpu.memory_space<hbm>>
      %dma_start3A_25 = arith.constant 0 : i32
      %dma_start3A_26 = arith.constant 0 : i32
      %dma_start3A_27 = arith.constant 0 : i32
      %dma_start3A_28 = tpu.memref_slice %arg2[%arg0, %dma_start3A_25, %dma_start3A_26, %dma_start3A_27] : memref<2x16x158x128xi32, #tpu.memory_space<hbm>> -> memref<1x16x158x128xi32, #tpu.memory_space<hbm>>
      %dma_start3A_29 = tpu.memref_squeeze %dma_start3A_28 : memref<1x16x158x128xi32, #tpu.memory_space<hbm>> -> memref<16x158x128xi32, #tpu.memory_space<hbm>>
      %dma_start3A_30 = arith.constant 0 : i32
      %dma_start3A_31 = arith.constant 0 : i32
      %dma_start3A_32 = tpu.memref_slice %dma_start3A_29[%arg1, %dma_start3A_30, %dma_start3A_31] : memref<16x158x128xi32, #tpu.memory_space<hbm>> -> memref<1x158x128xi32, #tpu.memory_space<hbm>>
      %dma_start3A_33 = tpu.memref_squeeze %dma_start3A_32 : memref<1x158x128xi32, #tpu.memory_space<hbm>> -> memref<158x128xi32, #tpu.memory_space<hbm>>
      tpu.enqueue_dma source(%dma_start3A_33 : memref<158x128xi32, #tpu.memory_space<hbm>>) target(%arg8 : memref<158x128xi32, #tpu.memory_space<vmem>>) target_semaphore(%run_scoped3A : memref<!tpu.dma_semaphore, #tpu.memory_space<semaphore_mem>>)
      %dma_wait3A = arith.constant 0 : i32
      %dma_wait3A_34 = arith.constant 0 : i32
      %dma_wait3A_35 = arith.constant 0 : i32
      %dma_wait3A_36 = tpu.memref_slice %arg2[%arg0, %dma_wait3A, %dma_wait3A_34, %dma_wait3A_35] : memref<2x16x158x128xi32, #tpu.memory_space<hbm>> -> memref<1x16x158x128xi32, #tpu.memory_space<hbm>>
      %dma_wait3A_37 = tpu.memref_squeeze %dma_wait3A_36 : memref<1x16x158x128xi32, #tpu.memory_space<hbm>> -> memref<16x158x128xi32, #tpu.memory_space<hbm>>
      %dma_wait3A_38 = arith.constant 0 : i32
      %dma_wait3A_39 = arith.constant 0 : i32
      %dma_wait3A_40 = tpu.memref_slice %dma_wait3A_37[%arg1, %dma_wait3A_38, %dma_wait3A_39] : memref<16x158x128xi32, #tpu.memory_space<hbm>> -> memref<1x158x128xi32, #tpu.memory_space<hbm>>
      %dma_wait3A_41 = tpu.memref_squeeze %dma_wait3A_40 : memref<1x158x128xi32, #tpu.memory_space<hbm>> -> memref<158x128xi32, #tpu.memory_space<hbm>>
      %dma_wait3A_42 = arith.constant 0 : i32
      %dma_wait3A_43 = arith.constant 0 : i32
      %dma_wait3A_44 = arith.constant 0 : i32
      %dma_wait3A_45 = tpu.memref_slice %arg2[%arg0, %dma_wait3A_42, %dma_wait3A_43, %dma_wait3A_44] : memref<2x16x158x128xi32, #tpu.memory_space<hbm>> -> memref<1x16x158x128xi32, #tpu.memory_space<hbm>>
      %dma_wait3A_46 = tpu.memref_squeeze %dma_wait3A_45 : memref<1x16x158x128xi32, #tpu.memory_space<hbm>> -> memref<16x158x128xi32, #tpu.memory_space<hbm>>
      %dma_wait3A_47 = arith.constant 0 : i32
      %dma_wait3A_48 = arith.constant 0 : i32
      %dma_wait3A_49 = tpu.memref_slice %dma_wait3A_46[%arg1, %dma_wait3A_47, %dma_wait3A_48] : memref<16x158x128xi32, #tpu.memory_space<hbm>> -> memref<1x158x128xi32, #tpu.memory_space<hbm>>
      %dma_wait3A_50 = tpu.memref_squeeze %dma_wait3A_49 : memref<1x158x128xi32, #tpu.memory_space<hbm>> -> memref<158x128xi32, #tpu.memory_space<hbm>>
      tpu.wait_dma2 semaphore(%run_scoped3A : memref<!tpu.dma_semaphore, #tpu.memory_space<semaphore_mem>>) src(%dma_wait3A_50 : memref<158x128xi32, #tpu.memory_space<hbm>>) dst(%arg8 : memref<158x128xi32, #tpu.memory_space<vmem>>)
      tpu.yield
    }) : () -> ()
    "tpu.region"() ({
      %run_scoped3A = tpu.sem_alloc : memref<!tpu.dma_semaphore, #tpu.memory_space<semaphore_mem>>
      %dma_start3A_16 = arith.constant 0 : i32
      %dma_start3A_17 = arith.constant 0 : i32
      %dma_start3A_18 = tpu.memref_slice %arg3[%arg1, %dma_start3A_16, %dma_start3A_17] : memref<16x158x128xi32, #tpu.memory_space<hbm>> -> memref<1x158x128xi32, #tpu.memory_space<hbm>>
      %dma_start3A_19 = tpu.memref_squeeze %dma_start3A_18 : memref<1x158x128xi32, #tpu.memory_space<hbm>> -> memref<158x128xi32, #tpu.memory_space<hbm>>
      %dma_start3A_20 = arith.constant 0 : i32
      %dma_start3A_21 = arith.constant 0 : i32
      %dma_start3A_22 = tpu.memref_slice %arg3[%arg1, %dma_start3A_20, %dma_start3A_21] : memref<16x158x128xi32, #tpu.memory_space<hbm>> -> memref<1x158x128xi32, #tpu.memory_space<hbm>>
      %dma_start3A_23 = tpu.memref_squeeze %dma_start3A_22 : memref<1x158x128xi32, #tpu.memory_space<hbm>> -> memref<158x128xi32, #tpu.memory_space<hbm>>
      tpu.enqueue_dma source(%dma_start3A_23 : memref<158x128xi32, #tpu.memory_space<hbm>>) target(%arg9 : memref<158x128xi32, #tpu.memory_space<vmem>>) target_semaphore(%run_scoped3A : memref<!tpu.dma_semaphore, #tpu.memory_space<semaphore_mem>>)
      %dma_wait3A = arith.constant 0 : i32
      %dma_wait3A_24 = arith.constant 0 : i32
      %dma_wait3A_25 = tpu.memref_slice %arg3[%arg1, %dma_wait3A, %dma_wait3A_24] : memref<16x158x128xi32, #tpu.memory_space<hbm>> -> memref<1x158x128xi32, #tpu.memory_space<hbm>>
      %dma_wait3A_26 = tpu.memref_squeeze %dma_wait3A_25 : memref<1x158x128xi32, #tpu.memory_space<hbm>> -> memref<158x128xi32, #tpu.memory_space<hbm>>
      %dma_wait3A_27 = arith.constant 0 : i32
      %dma_wait3A_28 = arith.constant 0 : i32
      %dma_wait3A_29 = tpu.memref_slice %arg3[%arg1, %dma_wait3A_27, %dma_wait3A_28] : memref<16x158x128xi32, #tpu.memory_space<hbm>> -> memref<1x158x128xi32, #tpu.memory_space<hbm>>
      %dma_wait3A_30 = tpu.memref_squeeze %dma_wait3A_29 : memref<1x158x128xi32, #tpu.memory_space<hbm>> -> memref<158x128xi32, #tpu.memory_space<hbm>>
      tpu.wait_dma2 semaphore(%run_scoped3A : memref<!tpu.dma_semaphore, #tpu.memory_space<semaphore_mem>>) src(%dma_wait3A_30 : memref<158x128xi32, #tpu.memory_space<hbm>>) dst(%arg9 : memref<158x128xi32, #tpu.memory_space<vmem>>)
      tpu.yield
    }) : () -> ()
    "tpu.region"() ({
      %run_scoped3A = tpu.sem_alloc : memref<!tpu.dma_semaphore, #tpu.memory_space<semaphore_mem>>
      %dma_start3A_16 = arith.constant 0 : i32
      %dma_start3A_17 = arith.constant 0 : i32
      %dma_start3A_18 = tpu.memref_slice %arg4[%arg1, %dma_start3A_16, %dma_start3A_17] : memref<16x158x128xf32, #tpu.memory_space<hbm>> -> memref<1x158x128xf32, #tpu.memory_space<hbm>>
      %dma_start3A_19 = tpu.memref_squeeze %dma_start3A_18 : memref<1x158x128xf32, #tpu.memory_space<hbm>> -> memref<158x128xf32, #tpu.memory_space<hbm>>
      %dma_start3A_20 = arith.constant 0 : i32
      %dma_start3A_21 = arith.constant 0 : i32
      %dma_start3A_22 = tpu.memref_slice %arg4[%arg1, %dma_start3A_20, %dma_start3A_21] : memref<16x158x128xf32, #tpu.memory_space<hbm>> -> memref<1x158x128xf32, #tpu.memory_space<hbm>>
      %dma_start3A_23 = tpu.memref_squeeze %dma_start3A_22 : memref<1x158x128xf32, #tpu.memory_space<hbm>> -> memref<158x128xf32, #tpu.memory_space<hbm>>
      tpu.enqueue_dma source(%dma_start3A_23 : memref<158x128xf32, #tpu.memory_space<hbm>>) target(%arg10 : memref<158x128xf32, #tpu.memory_space<vmem>>) target_semaphore(%run_scoped3A : memref<!tpu.dma_semaphore, #tpu.memory_space<semaphore_mem>>)
      %dma_wait3A = arith.constant 0 : i32
      %dma_wait3A_24 = arith.constant 0 : i32
      %dma_wait3A_25 = tpu.memref_slice %arg4[%arg1, %dma_wait3A, %dma_wait3A_24] : memref<16x158x128xf32, #tpu.memory_space<hbm>> -> memref<1x158x128xf32, #tpu.memory_space<hbm>>
      %dma_wait3A_26 = tpu.memref_squeeze %dma_wait3A_25 : memref<1x158x128xf32, #tpu.memory_space<hbm>> -> memref<158x128xf32, #tpu.memory_space<hbm>>
      %dma_wait3A_27 = arith.constant 0 : i32
      %dma_wait3A_28 = arith.constant 0 : i32
      %dma_wait3A_29 = tpu.memref_slice %arg4[%arg1, %dma_wait3A_27, %dma_wait3A_28] : memref<16x158x128xf32, #tpu.memory_space<hbm>> -> memref<1x158x128xf32, #tpu.memory_space<hbm>>
      %dma_wait3A_30 = tpu.memref_squeeze %dma_wait3A_29 : memref<1x158x128xf32, #tpu.memory_space<hbm>> -> memref<158x128xf32, #tpu.memory_space<hbm>>
      tpu.wait_dma2 semaphore(%run_scoped3A : memref<!tpu.dma_semaphore, #tpu.memory_space<semaphore_mem>>) src(%dma_wait3A_30 : memref<158x128xf32, #tpu.memory_space<hbm>>) dst(%arg10 : memref<158x128xf32, #tpu.memory_space<vmem>>)
      tpu.yield
    }) : () -> ()
    %mul3A = arith.constant 640 : i32
    %mul3A_0 = arith.muli %arg1, %mul3A : i32
    "tpu.region"() ({
      %run_scoped3A = tpu.sem_alloc : memref<!tpu.dma_semaphore, #tpu.memory_space<semaphore_mem>>
      %dma_start3A_16 = arith.constant 0 : i32
      %dma_start3A_17 = tpu.memref_slice %arg13[%mul3A_0, %dma_start3A_16] : memref<10240x64xf32, #tpu.memory_space<vmem_shared>> -> memref<640x64xf32, #tpu.memory_space<vmem_shared>>
      tpu.enqueue_dma source(%arg6 : memref<640x64xf32, #tpu.memory_space<hbm>>) target(%dma_start3A_17 : memref<640x64xf32, #tpu.memory_space<vmem_shared>>) target_semaphore(%run_scoped3A : memref<!tpu.dma_semaphore, #tpu.memory_space<semaphore_mem>>)
      %dma_wait3A = arith.constant 0 : i32
      %dma_wait3A_18 = tpu.memref_slice %arg13[%mul3A_0, %dma_wait3A] : memref<10240x64xf32, #tpu.memory_space<vmem_shared>> -> memref<640x64xf32, #tpu.memory_space<vmem_shared>>
      tpu.wait_dma2 semaphore(%run_scoped3A : memref<!tpu.dma_semaphore, #tpu.memory_space<semaphore_mem>>) src(%arg6 : memref<640x64xf32, #tpu.memory_space<hbm>>) dst(%dma_wait3A_18 : memref<640x64xf32, #tpu.memory_space<vmem_shared>>)
      tpu.yield
    }) : () -> ()
    %barrier3A = arith.constant 0 : index
    tpu.barrier barrier_id(%barrier3A)
    %dma_start3A = arith.constant 0 : i32
    %dma_start3A_1 = arith.constant 0 : i32
    %dma_start3A_2 = tpu.memref_slice %arg8[%dma_start3A, %dma_start3A_1] : memref<158x128xi32, #tpu.memory_space<vmem>> -> memref<1x128xi32, #tpu.memory_space<vmem>>
    %dma_start3A_3 = tpu.memref_squeeze %dma_start3A_2 : memref<1x128xi32, #tpu.memory_space<vmem>> -> memref<128xi32, #tpu.memory_space<vmem>>
    %dma_start3A_4 = arith.constant 0 : i32
    %dma_start3A_5 = arith.constant 0 : i32
    %dma_start3A_6 = tpu.memref_slice %arg5[%dma_start3A_4, %dma_start3A_5] : memref<20480x64xf32, #tpu.memory_space<hbm>> -> memref<20480x64xf32, #tpu.memory_space<hbm>>
    tpu.enqueue_indirect_dma source(%dma_start3A_6 : memref<20480x64xf32, #tpu.memory_space<hbm>>) target(%arg11 : memref<128x64xf32, #tpu.memory_space<vmem>>) offsets(%dma_start3A_3 : memref<128xi32, #tpu.memory_space<vmem>>) semaphore(%arg14 : memref<!tpu.dma_semaphore, #tpu.memory_space<semaphore_mem>>)
    %scan3A = arith.constant 0 : i32
    %scan3A_7 = arith.constant 79 : i32
    %scan3A_8 = arith.addi %scan3A, %scan3A_7 : i32
    %scan3A_9 = arith.constant 1 : i32
    scf.for %scan3A_16 = %scan3A to %scan3A_8 step %scan3A_9  : i32 {
      %mul3A_17 = arith.constant 1 : i32
      %mul3A_18 = arith.muli %scan3A_16, %mul3A_17 : i32
      %add3A = arith.constant 0 : i32
      %add3A_19 = arith.addi %add3A, %mul3A_18 : i32
      %mul3A_20 = arith.constant 2 : i32
      %mul3A_21 = arith.muli %add3A_19, %mul3A_20 : i32
      %add3A_22 = arith.constant 1 : i32
      %add3A_23 = arith.addi %mul3A_21, %add3A_22 : i32
      %dma_start3A_24 = arith.constant 0 : i32
      %dma_start3A_25 = tpu.memref_slice %arg8[%add3A_23, %dma_start3A_24] : memref<158x128xi32, #tpu.memory_space<vmem>> -> memref<1x128xi32, #tpu.memory_space<vmem>>
      %dma_start3A_26 = tpu.memref_squeeze %dma_start3A_25 : memref<1x128xi32, #tpu.memory_space<vmem>> -> memref<128xi32, #tpu.memory_space<vmem>>
      %dma_start3A_27 = arith.constant 0 : i32
      %dma_start3A_28 = arith.constant 0 : i32
      %dma_start3A_29 = tpu.memref_slice %arg5[%dma_start3A_27, %dma_start3A_28] : memref<20480x64xf32, #tpu.memory_space<hbm>> -> memref<20480x64xf32, #tpu.memory_space<hbm>>
      tpu.enqueue_indirect_dma source(%dma_start3A_29 : memref<20480x64xf32, #tpu.memory_space<hbm>>) target(%arg12 : memref<128x64xf32, #tpu.memory_space<vmem>>) offsets(%dma_start3A_26 : memref<128xi32, #tpu.memory_space<vmem>>) semaphore(%arg15 : memref<!tpu.dma_semaphore, #tpu.memory_space<semaphore_mem>>)
      %dma_wait3A = arith.constant 0 : i32
      %dma_wait3A_30 = tpu.memref_slice %arg8[%mul3A_21, %dma_wait3A] : memref<158x128xi32, #tpu.memory_space<vmem>> -> memref<1x128xi32, #tpu.memory_space<vmem>>
      %dma_wait3A_31 = tpu.memref_squeeze %dma_wait3A_30 : memref<1x128xi32, #tpu.memory_space<vmem>> -> memref<128xi32, #tpu.memory_space<vmem>>
      %dma_wait3A_32 = arith.constant 0 : i32
      %dma_wait3A_33 = arith.constant 0 : i32
      %dma_wait3A_34 = tpu.memref_slice %arg5[%dma_wait3A_32, %dma_wait3A_33] : memref<20480x64xf32, #tpu.memory_space<hbm>> -> memref<20480x64xf32, #tpu.memory_space<hbm>>
      tpu.wait_indirect_dma semaphore(%arg14 : memref<!tpu.dma_semaphore, #tpu.memory_space<semaphore_mem>>) src(%dma_wait3A_34 : memref<20480x64xf32, #tpu.memory_space<hbm>>) dst(%arg11 : memref<128x64xf32, #tpu.memory_space<vmem>>)
      %broadcast_in_dim3A = vector.broadcast %mul3A_21 : i32 to vector<16xi32>
      %parallel_loop3A = arith.constant 0 : i32
      %parallel_loop3A_35 = arith.constant 128 : i32
      %parallel_loop3A_36 = arith.constant 1 : i32
      scf.for %parallel_loop3A_57 = %parallel_loop3A to %parallel_loop3A_35 step %parallel_loop3A_36  : i32 {
        %parallel_loop3A_58 = vector.broadcast %parallel_loop3A_57 : i32 to vector<16xi32>
        %parallel_loop3A_59 = tpu.vector_load_idx %arg10[%broadcast_in_dim3A, %parallel_loop3A_58] : memref<158x128xf32, #tpu.memory_space<vmem>>[vector<16xi32>, vector<16xi32>], vector<16xf32>,
        %parallel_loop3A_60 = arith.index_cast %parallel_loop3A_57 : i32 to index
        %parallel_loop3A_61 = arith.constant 0 : index
        %parallel_loop3A_62 = tpu.vector_load %arg11[%parallel_loop3A_60, %parallel_loop3A_61] {strides = array<i32>} : memref<128x64xf32, #tpu.memory_space<vmem>>, vector<16xf32>,
        %parallel_loop3A_63 = arith.mulf %parallel_loop3A_62, %parallel_loop3A_59 : vector<16xf32>
        %parallel_loop3A_64 = arith.index_cast %parallel_loop3A_57 : i32 to index
        %parallel_loop3A_65 = arith.constant 0 : index
        %parallel_loop3A_66 = tpu.vector_load %arg11[%parallel_loop3A_64, %parallel_loop3A_65] {strides = array<i32>} : memref<128x64xf32, #tpu.memory_space<vmem>>, vector<16xf32>,
        tpu.vector_store %arg11[%parallel_loop3A_64, %parallel_loop3A_65], %parallel_loop3A_63 {strides = array<i32>} : memref<128x64xf32, #tpu.memory_space<vmem>>, vector<16xf32>,
        %parallel_loop3A_67 = arith.index_cast %parallel_loop3A_57 : i32 to index
        %parallel_loop3A_68 = arith.constant 16 : index
        %parallel_loop3A_69 = tpu.vector_load %arg11[%parallel_loop3A_67, %parallel_loop3A_68] {strides = array<i32>} : memref<128x64xf32, #tpu.memory_space<vmem>>, vector<16xf32>,
        %parallel_loop3A_70 = arith.mulf %parallel_loop3A_69, %parallel_loop3A_59 : vector<16xf32>
        %parallel_loop3A_71 = arith.index_cast %parallel_loop3A_57 : i32 to index
        %parallel_loop3A_72 = arith.constant 16 : index
        %parallel_loop3A_73 = tpu.vector_load %arg11[%parallel_loop3A_71, %parallel_loop3A_72] {strides = array<i32>} : memref<128x64xf32, #tpu.memory_space<vmem>>, vector<16xf32>,
        tpu.vector_store %arg11[%parallel_loop3A_71, %parallel_loop3A_72], %parallel_loop3A_70 {strides = array<i32>} : memref<128x64xf32, #tpu.memory_space<vmem>>, vector<16xf32>,
        %parallel_loop3A_74 = arith.index_cast %parallel_loop3A_57 : i32 to index
        %parallel_loop3A_75 = arith.constant 32 : index
        %parallel_loop3A_76 = tpu.vector_load %arg11[%parallel_loop3A_74, %parallel_loop3A_75] {strides = array<i32>} : memref<128x64xf32, #tpu.memory_space<vmem>>, vector<16xf32>,
        %parallel_loop3A_77 = arith.mulf %parallel_loop3A_76, %parallel_loop3A_59 : vector<16xf32>
        %parallel_loop3A_78 = arith.index_cast %parallel_loop3A_57 : i32 to index
        %parallel_loop3A_79 = arith.constant 32 : index
        %parallel_loop3A_80 = tpu.vector_load %arg11[%parallel_loop3A_78, %parallel_loop3A_79] {strides = array<i32>} : memref<128x64xf32, #tpu.memory_space<vmem>>, vector<16xf32>,
        tpu.vector_store %arg11[%parallel_loop3A_78, %parallel_loop3A_79], %parallel_loop3A_77 {strides = array<i32>} : memref<128x64xf32, #tpu.memory_space<vmem>>, vector<16xf32>,
        %parallel_loop3A_81 = arith.index_cast %parallel_loop3A_57 : i32 to index
        %parallel_loop3A_82 = arith.constant 48 : index
        %parallel_loop3A_83 = tpu.vector_load %arg11[%parallel_loop3A_81, %parallel_loop3A_82] {strides = array<i32>} : memref<128x64xf32, #tpu.memory_space<vmem>>, vector<16xf32>,
        %parallel_loop3A_84 = arith.mulf %parallel_loop3A_83, %parallel_loop3A_59 : vector<16xf32>
        %parallel_loop3A_85 = arith.index_cast %parallel_loop3A_57 : i32 to index
        %parallel_loop3A_86 = arith.constant 48 : index
        %parallel_loop3A_87 = tpu.vector_load %arg11[%parallel_loop3A_85, %parallel_loop3A_86] {strides = array<i32>} : memref<128x64xf32, #tpu.memory_space<vmem>>, vector<16xf32>,
        tpu.vector_store %arg11[%parallel_loop3A_85, %parallel_loop3A_86], %parallel_loop3A_84 {strides = array<i32>} : memref<128x64xf32, #tpu.memory_space<vmem>>, vector<16xf32>,
      } {sc.loop_unroll_factor = 4 : i64, sc.parallel_access}
      "tpu.region"() ({
        %run_scoped3A = tpu.sem_alloc : memref<!tpu.dma_semaphore, #tpu.memory_space<semaphore_mem>>
        %dma_start3A_57 = arith.constant 0 : i32
        %dma_start3A_58 = tpu.memref_slice %arg9[%mul3A_21, %dma_start3A_57] : memref<158x128xi32, #tpu.memory_space<vmem>> -> memref<1x128xi32, #tpu.memory_space<vmem>>
        %dma_start3A_59 = tpu.memref_squeeze %dma_start3A_58 : memref<1x128xi32, #tpu.memory_space<vmem>> -> memref<128xi32, #tpu.memory_space<vmem>>
        %dma_start3A_60 = arith.constant 0 : i32
        %dma_start3A_61 = arith.constant 0 : i32
        %dma_start3A_62 = tpu.memref_slice %arg13[%dma_start3A_60, %dma_start3A_61] : memref<10240x64xf32, #tpu.memory_space<vmem_shared>> -> memref<10240x64xf32, #tpu.memory_space<vmem_shared>>
        tpu.enqueue_indirect_dma source(%arg11 : memref<128x64xf32, #tpu.memory_space<vmem>>) target(%dma_start3A_62 : memref<10240x64xf32, #tpu.memory_space<vmem_shared>>) offsets(%dma_start3A_59 : memref<128xi32, #tpu.memory_space<vmem>>) semaphore(%run_scoped3A : memref<!tpu.dma_semaphore, #tpu.memory_space<semaphore_mem>>) {add = true}
        %dma_wait3A_63 = arith.constant 0 : i32
        %dma_wait3A_64 = tpu.memref_slice %arg9[%mul3A_21, %dma_wait3A_63] : memref<158x128xi32, #tpu.memory_space<vmem>> -> memref<1x128xi32, #tpu.memory_space<vmem>>
        %dma_wait3A_65 = tpu.memref_squeeze %dma_wait3A_64 : memref<1x128xi32, #tpu.memory_space<vmem>> -> memref<128xi32, #tpu.memory_space<vmem>>
        %dma_wait3A_66 = arith.constant 0 : i32
        %dma_wait3A_67 = arith.constant 0 : i32
        %dma_wait3A_68 = tpu.memref_slice %arg13[%dma_wait3A_66, %dma_wait3A_67] : memref<10240x64xf32, #tpu.memory_space<vmem_shared>> -> memref<10240x64xf32, #tpu.memory_space<vmem_shared>>
        tpu.wait_indirect_dma semaphore(%run_scoped3A : memref<!tpu.dma_semaphore, #tpu.memory_space<semaphore_mem>>) src(%arg11 : memref<128x64xf32, #tpu.memory_space<vmem>>) dst(%dma_wait3A_68 : memref<10240x64xf32, #tpu.memory_space<vmem_shared>>)
        tpu.yield
      }) : () -> ()
      %add3A_37 = arith.constant 2 : i32
      %add3A_38 = arith.addi %mul3A_21, %add3A_37 : i32
      %lt3A = arith.constant 158 : i32
      %lt3A_39 = arith.cmpi slt, %add3A_38, %lt3A : i32
      %convert_element_type3A = arith.extui %lt3A_39 : i1 to i32
      %cond3A = arith.constant 0 : i32
      %cond3A_40 = arith.cmpi ne, %convert_element_type3A, %cond3A : i32
      scf.if %cond3A_40 {
        %add3A_57 = arith.constant 2 : i32
        %add3A_58 = arith.addi %mul3A_21, %add3A_57 : i32
        %dma_start3A_59 = arith.constant 0 : i32
        %dma_start3A_60 = tpu.memref_slice %arg8[%add3A_58, %dma_start3A_59] : memref<158x128xi32, #tpu.memory_space<vmem>> -> memref<1x128xi32, #tpu.memory_space<vmem>>
        %dma_start3A_61 = tpu.memref_squeeze %dma_start3A_60 : memref<1x128xi32, #tpu.memory_space<vmem>> -> memref<128xi32, #tpu.memory_space<vmem>>
        %dma_start3A_62 = arith.constant 0 : i32
        %dma_start3A_63 = arith.constant 0 : i32
        %dma_start3A_64 = tpu.memref_slice %arg5[%dma_start3A_62, %dma_start3A_63] : memref<20480x64xf32, #tpu.memory_space<hbm>> -> memref<20480x64xf32, #tpu.memory_space<hbm>>
        tpu.enqueue_indirect_dma source(%dma_start3A_64 : memref<20480x64xf32, #tpu.memory_space<hbm>>) target(%arg11 : memref<128x64xf32, #tpu.memory_space<vmem>>) offsets(%dma_start3A_61 : memref<128xi32, #tpu.memory_space<vmem>>) semaphore(%arg14 : memref<!tpu.dma_semaphore, #tpu.memory_space<semaphore_mem>>)
      } else {
      }
      %add3A_41 = arith.constant 1 : i32
      %add3A_42 = arith.addi %mul3A_21, %add3A_41 : i32
      %dma_wait3A_43 = arith.constant 0 : i32
      %dma_wait3A_44 = tpu.memref_slice %arg8[%add3A_42, %dma_wait3A_43] : memref<158x128xi32, #tpu.memory_space<vmem>> -> memref<1x128xi32, #tpu.memory_space<vmem>>
      %dma_wait3A_45 = tpu.memref_squeeze %dma_wait3A_44 : memref<1x128xi32, #tpu.memory_space<vmem>> -> memref<128xi32, #tpu.memory_space<vmem>>
      %dma_wait3A_46 = arith.constant 0 : i32
      %dma_wait3A_47 = arith.constant 0 : i32
      %dma_wait3A_48 = tpu.memref_slice %arg5[%dma_wait3A_46, %dma_wait3A_47] : memref<20480x64xf32, #tpu.memory_space<hbm>> -> memref<20480x64xf32, #tpu.memory_space<hbm>>
      tpu.wait_indirect_dma semaphore(%arg15 : memref<!tpu.dma_semaphore, #tpu.memory_space<semaphore_mem>>) src(%dma_wait3A_48 : memref<20480x64xf32, #tpu.memory_space<hbm>>) dst(%arg12 : memref<128x64xf32, #tpu.memory_space<vmem>>)
      %add3A_49 = arith.constant 1 : i32
      %add3A_50 = arith.addi %mul3A_21, %add3A_49 : i32
      %broadcast_in_dim3A_51 = vector.broadcast %add3A_50 : i32 to vector<16xi32>
      %parallel_loop3A_52 = arith.constant 0 : i32
      %parallel_loop3A_53 = arith.constant 128 : i32
      %parallel_loop3A_54 = arith.constant 1 : i32
      scf.for %parallel_loop3A_57 = %parallel_loop3A_52 to %parallel_loop3A_53 step %parallel_loop3A_54  : i32 {
        %parallel_loop3A_58 = vector.broadcast %parallel_loop3A_57 : i32 to vector<16xi32>
        %parallel_loop3A_59 = tpu.vector_load_idx %arg10[%broadcast_in_dim3A_51, %parallel_loop3A_58] : memref<158x128xf32, #tpu.memory_space<vmem>>[vector<16xi32>, vector<16xi32>], vector<16xf32>,
        %parallel_loop3A_60 = arith.index_cast %parallel_loop3A_57 : i32 to index
        %parallel_loop3A_61 = arith.constant 0 : index
        %parallel_loop3A_62 = tpu.vector_load %arg12[%parallel_loop3A_60, %parallel_loop3A_61] {strides = array<i32>} : memref<128x64xf32, #tpu.memory_space<vmem>>, vector<16xf32>,
        %parallel_loop3A_63 = arith.mulf %parallel_loop3A_62, %parallel_loop3A_59 : vector<16xf32>
        %parallel_loop3A_64 = arith.index_cast %parallel_loop3A_57 : i32 to index
        %parallel_loop3A_65 = arith.constant 0 : index
        %parallel_loop3A_66 = tpu.vector_load %arg12[%parallel_loop3A_64, %parallel_loop3A_65] {strides = array<i32>} : memref<128x64xf32, #tpu.memory_space<vmem>>, vector<16xf32>,
        tpu.vector_store %arg12[%parallel_loop3A_64, %parallel_loop3A_65], %parallel_loop3A_63 {strides = array<i32>} : memref<128x64xf32, #tpu.memory_space<vmem>>, vector<16xf32>,
        %parallel_loop3A_67 = arith.index_cast %parallel_loop3A_57 : i32 to index
        %parallel_loop3A_68 = arith.constant 16 : index
        %parallel_loop3A_69 = tpu.vector_load %arg12[%parallel_loop3A_67, %parallel_loop3A_68] {strides = array<i32>} : memref<128x64xf32, #tpu.memory_space<vmem>>, vector<16xf32>,
        %parallel_loop3A_70 = arith.mulf %parallel_loop3A_69, %parallel_loop3A_59 : vector<16xf32>
        %parallel_loop3A_71 = arith.index_cast %parallel_loop3A_57 : i32 to index
        %parallel_loop3A_72 = arith.constant 16 : index
        %parallel_loop3A_73 = tpu.vector_load %arg12[%parallel_loop3A_71, %parallel_loop3A_72] {strides = array<i32>} : memref<128x64xf32, #tpu.memory_space<vmem>>, vector<16xf32>,
        tpu.vector_store %arg12[%parallel_loop3A_71, %parallel_loop3A_72], %parallel_loop3A_70 {strides = array<i32>} : memref<128x64xf32, #tpu.memory_space<vmem>>, vector<16xf32>,
        %parallel_loop3A_74 = arith.index_cast %parallel_loop3A_57 : i32 to index
        %parallel_loop3A_75 = arith.constant 32 : index
        %parallel_loop3A_76 = tpu.vector_load %arg12[%parallel_loop3A_74, %parallel_loop3A_75] {strides = array<i32>} : memref<128x64xf32, #tpu.memory_space<vmem>>, vector<16xf32>,
        %parallel_loop3A_77 = arith.mulf %parallel_loop3A_76, %parallel_loop3A_59 : vector<16xf32>
        %parallel_loop3A_78 = arith.index_cast %parallel_loop3A_57 : i32 to index
        %parallel_loop3A_79 = arith.constant 32 : index
        %parallel_loop3A_80 = tpu.vector_load %arg12[%parallel_loop3A_78, %parallel_loop3A_79] {strides = array<i32>} : memref<128x64xf32, #tpu.memory_space<vmem>>, vector<16xf32>,
        tpu.vector_store %arg12[%parallel_loop3A_78, %parallel_loop3A_79], %parallel_loop3A_77 {strides = array<i32>} : memref<128x64xf32, #tpu.memory_space<vmem>>, vector<16xf32>,
        %parallel_loop3A_81 = arith.index_cast %parallel_loop3A_57 : i32 to index
        %parallel_loop3A_82 = arith.constant 48 : index
        %parallel_loop3A_83 = tpu.vector_load %arg12[%parallel_loop3A_81, %parallel_loop3A_82] {strides = array<i32>} : memref<128x64xf32, #tpu.memory_space<vmem>>, vector<16xf32>,
        %parallel_loop3A_84 = arith.mulf %parallel_loop3A_83, %parallel_loop3A_59 : vector<16xf32>
        %parallel_loop3A_85 = arith.index_cast %parallel_loop3A_57 : i32 to index
        %parallel_loop3A_86 = arith.constant 48 : index
        %parallel_loop3A_87 = tpu.vector_load %arg12[%parallel_loop3A_85, %parallel_loop3A_86] {strides = array<i32>} : memref<128x64xf32, #tpu.memory_space<vmem>>, vector<16xf32>,
        tpu.vector_store %arg12[%parallel_loop3A_85, %parallel_loop3A_86], %parallel_loop3A_84 {strides = array<i32>} : memref<128x64xf32, #tpu.memory_space<vmem>>, vector<16xf32>,
      } {sc.loop_unroll_factor = 4 : i64, sc.parallel_access}
      %add3A_55 = arith.constant 1 : i32
      %add3A_56 = arith.addi %mul3A_21, %add3A_55 : i32
      "tpu.region"() ({
        %run_scoped3A = tpu.sem_alloc : memref<!tpu.dma_semaphore, #tpu.memory_space<semaphore_mem>>
        %dma_start3A_57 = arith.constant 0 : i32
        %dma_start3A_58 = tpu.memref_slice %arg9[%add3A_56, %dma_start3A_57] : memref<158x128xi32, #tpu.memory_space<vmem>> -> memref<1x128xi32, #tpu.memory_space<vmem>>
        %dma_start3A_59 = tpu.memref_squeeze %dma_start3A_58 : memref<1x128xi32, #tpu.memory_space<vmem>> -> memref<128xi32, #tpu.memory_space<vmem>>
        %dma_start3A_60 = arith.constant 0 : i32
        %dma_start3A_61 = arith.constant 0 : i32
        %dma_start3A_62 = tpu.memref_slice %arg13[%dma_start3A_60, %dma_start3A_61] : memref<10240x64xf32, #tpu.memory_space<vmem_shared>> -> memref<10240x64xf32, #tpu.memory_space<vmem_shared>>
        tpu.enqueue_indirect_dma source(%arg12 : memref<128x64xf32, #tpu.memory_space<vmem>>) target(%dma_start3A_62 : memref<10240x64xf32, #tpu.memory_space<vmem_shared>>) offsets(%dma_start3A_59 : memref<128xi32, #tpu.memory_space<vmem>>) semaphore(%run_scoped3A : memref<!tpu.dma_semaphore, #tpu.memory_space<semaphore_mem>>) {add = true}
        %dma_wait3A_63 = arith.constant 0 : i32
        %dma_wait3A_64 = tpu.memref_slice %arg9[%add3A_56, %dma_wait3A_63] : memref<158x128xi32, #tpu.memory_space<vmem>> -> memref<1x128xi32, #tpu.memory_space<vmem>>
        %dma_wait3A_65 = tpu.memref_squeeze %dma_wait3A_64 : memref<1x128xi32, #tpu.memory_space<vmem>> -> memref<128xi32, #tpu.memory_space<vmem>>
        %dma_wait3A_66 = arith.constant 0 : i32
        %dma_wait3A_67 = arith.constant 0 : i32
        %dma_wait3A_68 = tpu.memref_slice %arg13[%dma_wait3A_66, %dma_wait3A_67] : memref<10240x64xf32, #tpu.memory_space<vmem_shared>> -> memref<10240x64xf32, #tpu.memory_space<vmem_shared>>
        tpu.wait_indirect_dma semaphore(%run_scoped3A : memref<!tpu.dma_semaphore, #tpu.memory_space<semaphore_mem>>) src(%arg12 : memref<128x64xf32, #tpu.memory_space<vmem>>) dst(%dma_wait3A_68 : memref<10240x64xf32, #tpu.memory_space<vmem_shared>>)
        tpu.yield
      }) : () -> ()
    }
    %scan3A_10 = arith.constant 79 : i32
    %barrier3A_11 = arith.constant 0 : index
    tpu.barrier barrier_id(%barrier3A_11)
    %mul3A_12 = arith.constant 640 : i32
    %mul3A_13 = arith.muli %arg1, %mul3A_12 : i32
    %mul3A_14 = arith.constant 640 : i32
    %mul3A_15 = arith.muli %arg1, %mul3A_14 : i32
    "tpu.region"() ({
      %run_scoped3A = tpu.sem_alloc : memref<!tpu.dma_semaphore, #tpu.memory_space<semaphore_mem>>
      %dma_start3A_16 = arith.constant 0 : i32
      %dma_start3A_17 = arith.constant 0 : i32
      %dma_start3A_18 = tpu.memref_slice %arg7[%arg0, %dma_start3A_16, %dma_start3A_17] : memref<2x10240x64xf32, #tpu.memory_space<hbm>> -> memref<1x10240x64xf32, #tpu.memory_space<hbm>>
      %dma_start3A_19 = tpu.memref_squeeze %dma_start3A_18 : memref<1x10240x64xf32, #tpu.memory_space<hbm>> -> memref<10240x64xf32, #tpu.memory_space<hbm>>
      %dma_start3A_20 = arith.constant 0 : i32
      %dma_start3A_21 = tpu.memref_slice %dma_start3A_19[%mul3A_15, %dma_start3A_20] : memref<10240x64xf32, #tpu.memory_space<hbm>> -> memref<640x64xf32, #tpu.memory_space<hbm>>
      %dma_start3A_22 = arith.constant 0 : i32
      %dma_start3A_23 = tpu.memref_slice %arg13[%mul3A_13, %dma_start3A_22] : memref<10240x64xf32, #tpu.memory_space<vmem_shared>> -> memref<640x64xf32, #tpu.memory_space<vmem_shared>>
      tpu.enqueue_dma source(%dma_start3A_23 : memref<640x64xf32, #tpu.memory_space<vmem_shared>>) target(%dma_start3A_21 : memref<640x64xf32, #tpu.memory_space<hbm>>) target_semaphore(%run_scoped3A : memref<!tpu.dma_semaphore, #tpu.memory_space<semaphore_mem>>)
      %dma_wait3A = arith.constant 0 : i32
      %dma_wait3A_24 = arith.constant 0 : i32
      %dma_wait3A_25 = tpu.memref_slice %arg7[%arg0, %dma_wait3A, %dma_wait3A_24] : memref<2x10240x64xf32, #tpu.memory_space<hbm>> -> memref<1x10240x64xf32, #tpu.memory_space<hbm>>
      %dma_wait3A_26 = tpu.memref_squeeze %dma_wait3A_25 : memref<1x10240x64xf32, #tpu.memory_space<hbm>> -> memref<10240x64xf32, #tpu.memory_space<hbm>>
      %dma_wait3A_27 = arith.constant 0 : i32
      %dma_wait3A_28 = tpu.memref_slice %dma_wait3A_26[%mul3A_15, %dma_wait3A_27] : memref<10240x64xf32, #tpu.memory_space<hbm>> -> memref<640x64xf32, #tpu.memory_space<hbm>>
      %dma_wait3A_29 = arith.constant 0 : i32
      %dma_wait3A_30 = tpu.memref_slice %arg13[%mul3A_13, %dma_wait3A_29] : memref<10240x64xf32, #tpu.memory_space<vmem_shared>> -> memref<640x64xf32, #tpu.memory_space<vmem_shared>>
      tpu.wait_dma2 semaphore(%run_scoped3A : memref<!tpu.dma_semaphore, #tpu.memory_space<semaphore_mem>>) src(%dma_wait3A_30 : memref<640x64xf32, #tpu.memory_space<vmem_shared>>) dst(%dma_wait3A_28 : memref<640x64xf32, #tpu.memory_space<hbm>>)
      tpu.yield
    }) : () -> ()
    return
  }
}

module attributes {stable_mosaic.version = 14 : i64} {
  func.func @_mm_body(%arg0: memref<10240x128xf32, #tpu.memory_space<vmem>>, %arg1: memref<128x128xf32, #tpu.memory_space<vmem>>, %arg2: memref<10240x128xf32, #tpu.memory_space<vmem>>) attributes {dimension_semantics = [], scalar_prefetch = 0 : i64, scratch_operands = 0 : i64, tpu.core_type = #tpu.core_type<tc>} {
    %get3A = arith.constant 0 : index
    %get3A_0 = arith.constant 0 : index
    %get3A_1 = vector.load %arg0[%get3A, %get3A_0] : memref<10240x128xf32, #tpu.memory_space<vmem>>, vector<10240x128xf32>
    %get3A_2 = arith.constant 0 : index
    %get3A_3 = arith.constant 0 : index
    %get3A_4 = vector.load %arg1[%get3A_2, %get3A_3] : memref<128x128xf32, #tpu.memory_space<vmem>>, vector<128x128xf32>
    %dot_general3A = arith.constant dense<0.000000e+00> : vector<10240x128xf32>
    %dot_general3A_5 = tpu.matmul %get3A_1, %get3A_4, %dot_general3A {dimension_numbers = #tpu.dot_dimension_numbers<[1], [0], [0], [1], [0, 0, 1, 1], [], []>, transpose_lhs_hint = false} : vector<10240x128xf32>, vector<128x128xf32>, vector<10240x128xf32> -> vector<10240x128xf32>
    %swap3A = arith.constant 0 : index
    %swap3A_6 = arith.constant 0 : index
    %swap3A_7 = vector.load %arg2[%swap3A, %swap3A_6] : memref<10240x128xf32, #tpu.memory_space<vmem>>, vector<10240x128xf32>
    tpu.vector_store %arg2[%swap3A, %swap3A_6], %dot_general3A_5 {strides = array<i32>} : memref<10240x128xf32, #tpu.memory_space<vmem>>, vector<10240x128xf32>,
    return
  }
}

module attributes {stable_mosaic.version = 14 : i64} {
  func.func @_disg_body(%arg0: memref<2x10240x16xf32, #tpu.memory_space<vmem>>, %arg1: memref<10240x128xf32, #tpu.memory_space<vmem>>, %arg2: memref<10240x1xf32, #tpu.memory_space<vmem>>, %arg3: memref<20480x64xf32, #tpu.memory_space<vmem>>) attributes {dimension_semantics = [], scalar_prefetch = 0 : i64, scratch_operands = 0 : i64, tpu.core_type = #tpu.core_type<tc>} {
    %get3A = arith.constant 0 : index
    %get3A_0 = arith.constant 0 : index
    %get3A_1 = arith.constant 0 : index
    %get3A_2 = vector.load %arg0[%get3A, %get3A_0, %get3A_1] : memref<2x10240x16xf32, #tpu.memory_space<vmem>>, vector<1x10240x1xf32>
    %get3A_3 = vector.shape_cast %get3A_2 : vector<1x10240x1xf32> to vector<10240xf32>
    %get3A_4 = arith.constant 1 : index
    %get3A_5 = arith.constant 0 : index
    %get3A_6 = arith.constant 0 : index
    %get3A_7 = vector.load %arg0[%get3A_4, %get3A_5, %get3A_6] : memref<2x10240x16xf32, #tpu.memory_space<vmem>>, vector<1x10240x1xf32>
    %get3A_8 = vector.shape_cast %get3A_7 : vector<1x10240x1xf32> to vector<10240xf32>
    %add3A = arith.addf %get3A_3, %get3A_8 : vector<10240xf32>
    %add3A_9 = arith.constant 1.000000e+00 : f32
    %add3A_10 = vector.broadcast %add3A_9 : f32 to vector<10240xf32>
    %add3A_11 = arith.addf %add3A, %add3A_10 : vector<10240xf32>
    %rsqrt3A = math.rsqrt %add3A_11 : vector<10240xf32>
    %reshape3A = vector.shape_cast %rsqrt3A : vector<10240xf32> to vector<10240x1xf32>
    %swap3A = arith.constant 0 : index
    %swap3A_12 = arith.constant 0 : index
    %swap3A_13 = vector.load %arg2[%swap3A, %swap3A_12] : memref<10240x1xf32, #tpu.memory_space<vmem>>, vector<10240x1xf32>
    tpu.vector_store %arg2[%swap3A, %swap3A_12], %reshape3A {strides = array<i32>} : memref<10240x1xf32, #tpu.memory_space<vmem>>, vector<10240x1xf32>,
    %get3A_14 = arith.constant 0 : index
    %get3A_15 = arith.constant 0 : index
    %get3A_16 = vector.load %arg1[%get3A_14, %get3A_15] : memref<10240x128xf32, #tpu.memory_space<vmem>>, vector<10240x128xf32>
    %broadcast_in_dim3A = vector.shape_cast %rsqrt3A : vector<10240xf32> to vector<10240x1xf32>
    %mul3A = vector.broadcast %broadcast_in_dim3A : vector<10240x1xf32> to vector<10240x128xf32>
    %mul3A_17 = arith.mulf %get3A_16, %mul3A : vector<10240x128xf32>
    %slice3A = vector.extract_strided_slice %mul3A_17 {offsets = [0, 0], sizes = [10240, 64], strides = [1, 1]} : vector<10240x128xf32> to vector<10240x64xf32>
    %swap3A_18 = arith.constant 0 : index
    %swap3A_19 = arith.constant 0 : index
    %swap3A_20 = vector.load %arg3[%swap3A_18, %swap3A_19] : memref<20480x64xf32, #tpu.memory_space<vmem>>, vector<10240x64xf32>
    tpu.vector_store %arg3[%swap3A_18, %swap3A_19], %slice3A {strides = array<i32>} : memref<20480x64xf32, #tpu.memory_space<vmem>>, vector<10240x64xf32>,
    %slice3A_21 = vector.extract_strided_slice %mul3A_17 {offsets = [0, 64], sizes = [10240, 64], strides = [1, 1]} : vector<10240x128xf32> to vector<10240x64xf32>
    %swap3A_22 = arith.constant 10240 : index
    %swap3A_23 = arith.constant 0 : index
    %swap3A_24 = vector.load %arg3[%swap3A_22, %swap3A_23] : memref<20480x64xf32, #tpu.memory_space<vmem>>, vector<10240x64xf32>
    tpu.vector_store %arg3[%swap3A_22, %swap3A_23], %slice3A_21 {strides = array<i32>} : memref<20480x64xf32, #tpu.memory_space<vmem>>, vector<10240x64xf32>,
    return
  }
}

module attributes {stable_mosaic.version = 14 : i64} {
  func.func @_emb_body(%arg0: memref<2x10240x64xf32, #tpu.memory_space<vmem>>, %arg1: memref<10240x128xf32, #tpu.memory_space<vmem>>, %arg2: memref<10240x1xf32, #tpu.memory_space<vmem>>, %arg3: memref<1x128xf32, #tpu.memory_space<vmem>>, %arg4: memref<16x2048xi32, #tpu.memory_space<vmem>>, %arg5: memref<16x1xi32, #tpu.memory_space<vmem>>, %arg6: memref<10240x128xf32, #tpu.memory_space<vmem>>, %arg7: memref<16x2048xi32, #tpu.memory_space<vmem>>) attributes {dimension_semantics = [], scalar_prefetch = 0 : i64, scratch_operands = 0 : i64, tpu.core_type = #tpu.core_type<tc>} {
    %get3A = arith.constant 0 : index
    %get3A_0 = arith.constant 0 : index
    %get3A_1 = arith.constant 0 : index
    %get3A_2 = vector.load %arg0[%get3A, %get3A_0, %get3A_1] : memref<2x10240x64xf32, #tpu.memory_space<vmem>>, vector<1x10240x64xf32>
    %get3A_3 = vector.shape_cast %get3A_2 : vector<1x10240x64xf32> to vector<10240x64xf32>
    %get3A_4 = arith.constant 1 : index
    %get3A_5 = arith.constant 0 : index
    %get3A_6 = arith.constant 0 : index
    %get3A_7 = vector.load %arg0[%get3A_4, %get3A_5, %get3A_6] : memref<2x10240x64xf32, #tpu.memory_space<vmem>>, vector<1x10240x64xf32>
    %get3A_8 = vector.shape_cast %get3A_7 : vector<1x10240x64xf32> to vector<10240x64xf32>
    %concatenate3A = tpu.concatenate %get3A_3, %get3A_8 in 1 : vector<10240x64xf32>, vector<10240x64xf32> -> vector<10240x128xf32>
    %get3A_9 = arith.constant 0 : index
    %get3A_10 = arith.constant 0 : index
    %get3A_11 = vector.load %arg2[%get3A_9, %get3A_10] : memref<10240x1xf32, #tpu.memory_space<vmem>>, vector<10240x1xf32>
    %mul3A = vector.broadcast %get3A_11 : vector<10240x1xf32> to vector<10240x128xf32>
    %mul3A_12 = arith.mulf %concatenate3A, %mul3A : vector<10240x128xf32>
    %get3A_13 = arith.constant 0 : index
    %get3A_14 = arith.constant 0 : index
    %get3A_15 = vector.load %arg1[%get3A_13, %get3A_14] : memref<10240x128xf32, #tpu.memory_space<vmem>>, vector<10240x128xf32>
    %mul3A_16 = arith.mulf %get3A_11, %get3A_11 : vector<10240x1xf32>
    %mul3A_17 = vector.broadcast %mul3A_16 : vector<10240x1xf32> to vector<10240x128xf32>
    %mul3A_18 = arith.mulf %get3A_15, %mul3A_17 : vector<10240x128xf32>
    %add3A = arith.addf %mul3A_12, %mul3A_18 : vector<10240x128xf32>
    %get3A_19 = arith.constant 0 : index
    %get3A_20 = arith.constant 0 : index
    %get3A_21 = vector.load %arg3[%get3A_19, %get3A_20] : memref<1x128xf32, #tpu.memory_space<vmem>>, vector<1x128xf32>
    %add3A_22 = vector.broadcast %get3A_21 : vector<1x128xf32> to vector<10240x128xf32>
    %add3A_23 = arith.addf %add3A, %add3A_22 : vector<10240x128xf32>
    %max3A = arith.constant 0.000000e+00 : f32
    %max3A_24 = vector.broadcast %max3A : f32 to vector<10240x128xf32>
    %max3A_25 = arith.maximumf %add3A_23, %max3A_24 : vector<10240x128xf32>
    %swap3A = arith.constant 0 : index
    %swap3A_26 = arith.constant 0 : index
    %swap3A_27 = vector.load %arg6[%swap3A, %swap3A_26] : memref<10240x128xf32, #tpu.memory_space<vmem>>, vector<10240x128xf32>
    tpu.vector_store %arg6[%swap3A, %swap3A_26], %max3A_25 {strides = array<i32>} : memref<10240x128xf32, #tpu.memory_space<vmem>>, vector<10240x128xf32>,
    %broadcast_in_dim3A = arith.constant 0.000000e+00 : f32
    %broadcast_in_dim3A_28 = vector.broadcast %broadcast_in_dim3A : f32 to vector<64x128xf32>
    %swap3A_29 = arith.constant 10000 : index
    %swap3A_30 = arith.constant 0 : index
    %swap3A_31 = vector.load %arg6[%swap3A_29, %swap3A_30] : memref<10240x128xf32, #tpu.memory_space<vmem>>, vector<64x128xf32>
    tpu.vector_store %arg6[%swap3A_29, %swap3A_30], %broadcast_in_dim3A_28 {strides = array<i32>} : memref<10240x128xf32, #tpu.memory_space<vmem>>, vector<64x128xf32>,
    %iota3A = tpu.iota {dimensions = array<i32: 1>} : vector<16x2048xi32>
    %iota3A_32 = tpu.iota {dimensions = array<i32: 0>} : vector<16x2048xi32>
    %mul3A_33 = arith.constant 2048 : i32
    %mul3A_34 = vector.broadcast %mul3A_33 : i32 to vector<16x2048xi32>
    %mul3A_35 = arith.muli %iota3A_32, %mul3A_34 : vector<16x2048xi32>
    %add3A_36 = arith.addi %mul3A_35, %iota3A : vector<16x2048xi32>
    %get3A_37 = arith.constant 0 : index
    %get3A_38 = arith.constant 0 : index
    %get3A_39 = vector.load %arg5[%get3A_37, %get3A_38] : memref<16x1xi32, #tpu.memory_space<vmem>>, vector<16x1xi32>
    %lt3A = vector.broadcast %get3A_39 : vector<16x1xi32> to vector<16x2048xi32>
    %lt3A_40 = arith.cmpi slt, %iota3A, %lt3A : vector<16x2048xi32>
    %get3A_41 = arith.constant 0 : index
    %get3A_42 = arith.constant 0 : index
    %get3A_43 = vector.load %arg4[%get3A_41, %get3A_42] : memref<16x2048xi32, #tpu.memory_space<vmem>>, vector<16x2048xi32>
    %and3A = arith.constant 63 : i32
    %and3A_44 = vector.broadcast %and3A : i32 to vector<16x2048xi32>
    %and3A_45 = arith.andi %add3A_36, %and3A_44 : vector<16x2048xi32>
    %add3A_46 = arith.constant 10000 : i32
    %add3A_47 = vector.broadcast %add3A_46 : i32 to vector<16x2048xi32>
    %add3A_48 = arith.addi %add3A_47, %and3A_45 : vector<16x2048xi32>
    %select_n3A = arith.select %lt3A_40, %get3A_43, %add3A_48 : vector<16x2048xi1>, vector<16x2048xi32>
    %swap3A_49 = arith.constant 0 : index
    %swap3A_50 = arith.constant 0 : index
    %swap3A_51 = vector.load %arg7[%swap3A_49, %swap3A_50] : memref<16x2048xi32, #tpu.memory_space<vmem>>, vector<16x2048xi32>
    tpu.vector_store %arg7[%swap3A_49, %swap3A_50], %select_n3A {strides = array<i32>} : memref<16x2048xi32, #tpu.memory_space<vmem>>, vector<16x2048xi32>,
    return
  }
}

</mosaic_0001>

<sc_bundles>
// kernel: kernel.11.cloned.1.call-start
scs
__scs_entry_jumppad:
0x0: {  	(pc) =	sbr.rel $0x88, $3  }
0x1: {  	(tag) =	ssettag $0x0;
	lr =	simm.s32 $0x1  }
0x2: {  	[smem:$0x3F9A] =	sst lr;
	_ =	strace $0xD0000000  }
0x3: {  	_ = 	snop  }
0x4: {  	_ = 	snop  }
0x5: {  	_ = 	snop  }
0x6: {  	_ = 	snop  }
0x7: {  	_ = 	snop  }
__scs_overlays_trampoline_lowered:
0x8: {  	[smem:$0x3FA9] =	sst s0  }
0x9: {  	[smem:$0x3FAA] =	sst s1  }
0xa: {  	[smem:$0x3FAB] =	sst s2  }
0xb: {  	[smem:$0x3FAC] =	sst s3  }
0xc: {  	[smem:$0x3FAD] =	sst s4  }
0xd: {  	[smem:$0x3FAE] =	sst s5  }
0xe: {  	[smem:$0x3FAF] =	sst s6  }
0xf: {  	[smem:$0x3FB0] =	sst s7  }
0x10: {  	[smem:$0x3FB1] =	sst s8  }
0x11: {  	[smem:$0x3FB2] =	sst s9;
	s0 =	simm.s32 @!p0 $0x0  }
0x12: {  	s1 =	sld [smem:$0x3F98];
	s0 =	simm.s32 @p0 $0x1  }
0x13: {  	[smem:$0x3FB3] =	sst s0;
	s0 =	simm.s32 @!p1 $0x0  }
0x14: {  	s2 =	sld [smem:$0x3F97];
	s0 =	simm.s32 @p1 $0x1  }
0x15: {  	[smem:$0x3FB4] =	sst s0;
	s0 =	simm.s32 @!p2 $0x0  }
0x16: {  	s3 =	sld [smem:$0x3FDB];
	s0 =	simm.s32 @p2 $0x1  }
0x17: {  	s4 =	simm.s32 $0x1BF5;
	[smem:$0x3FB6] =	sst s0  }
0x18: {  	s0 =	sld [smem:$0x3F99];
	_ =	swait.ge [sflag:s4], $0x0  }
0x19: {  	s7 =	sld [smem:$0x3F9A]  }
0x1a: {  	s8 =	sadd.s32 $0xFFFFE003, lr  }
0x1b: {  	s9 =	sadd.s32 $0xFFFFFEF7, lr;
	s5 =	simm.s32 $0xFFFFFFFF;
	p2 =	slt.u32 s8, $0xFFFFF086  }
0x1c: {  	p1 =	slt.u32 s9, $0xF7A;
	s5 =	simm.s32 @!p2 $0x0  }
0x1d: {  	s5 =	simm.s32 @p1 $0x1;
	p0 =	seq.s32 s7, s2  }
0x1e: {  	s7 =	smul.u32 @!p0 $0xF7A, s2;
	p2 =	seq.s32 @!p0 s5, $0x0  }
0x1f: {  	s9 =	smul.u32 $0xF7A, s1;
	s8 =	simm.s32 @!p0 $0x1BF5;
	p2 =	por !p2, p0  }
0x20: {  	[sflag:s8] =	ssyncset.s32 @!p0 $0xFFFFF086;
	s6 =	sadd.s32 @!p0 s3, s7;
	s7 =	simm.s32 @!p0 $0x108  }
0x21: {  	s3 =	sadd.s32 s3, s9;
	s6 =	sadd.s32 @!p0 $0x88, s6;
	s7 =	simm.s32 @p2 $0x1082  }
0x22: {  	[simem:s7], [sflag:s8] =	dma.local @!p0 [hbm:s6], $0xF7A  }
0x23: {  	s9 =	sor.u32 $0xD0000000, s2;
	s6 =	simm.s32 $0x108;
	_ =	swait.ge @!p0 [sflag:s8], $0x0  }
0x24: {  	s3 =	sadd.s32 $0x88, s3;
	s6 =	simm.s32 @!p1 $0x1082;
	[sflag:s4] =	ssyncset.s32 $0xFFFFF086  }
0x25: {  	[simem:s6], [sflag:s4] =	dma.local [hbm:s3], $0xF7A  }
0x26: {  	[smem:$0x3F9A] =	sst s1;
	(tag) =	ssettag s2;
	_ =	strace s9  }
0x27: {  	s1 =	sld [smem:$0x3FAA]  }
0x28: {  	s2 =	sld [smem:$0x3FAB]  }
0x29: {  	s4 =	sld [smem:$0x3FAD]  }
0x2a: {  	p0 =	seq.s32 s5, $0x0;
	s5 =	sld [smem:$0x3FAE]  }
0x2b: {  	s6 =	sld [smem:$0x3FAF]  }
0x2c: {  	s7 =	sld [smem:$0x3FB0]  }
0x2d: {  	s3 =	simm.s32 $0x108;
	s8 =	sld [smem:$0x3FB1]  }
0x2e: {  	s3 =	simm.s32 @!p0 $0x1082;
	s9 =	sld [smem:$0x3FB2]  }
0x2f: {  	lr =	sadd.s32 s0, s3;
	s0 =	sld [smem:$0x3FA9]  }
0x30: {  	s3 =	sld [smem:$0x3FAC]  }
0x31: {  	[smem:$0x3FB5] =	sst s10  }
0x32: {  	s10 =	sld [smem:$0x3FB3];
	_ =	sdelay $0x3  }
0x33: {  	p0 =	seq.s32 s10, $0x1;
	s10 =	sld [smem:$0x3FB5];
	_ =	sdelay $0x3  }
0x34: {  	[smem:$0x3FB5] =	sst s10  }
0x35: {  	s10 =	sld [smem:$0x3FB4];
	_ =	sdelay $0x3  }
0x36: {  	p1 =	seq.s32 s10, $0x1;
	s10 =	sld [smem:$0x3FB5];
	_ =	sdelay $0x3  }
0x37: {  	[smem:$0x3FB5] =	sst s10  }
0x38: {  	s10 =	sld [smem:$0x3FB6]  }
0x39: {  	_ = 	snop;
	(pc) =	sbr.ind lr, $3  }
0x3a: {  	_ = 	snop  }
0x3b: {  	_ = 	snop  }
0x3c: {  	p2 =	seq.s32 s10, $0x1;
	s10 =	sld [smem:$0x3FB5]  }
0x3d: {  	_ =	shalt  }
0x3e: {  	_ =	shalt  }
0x3f: {  	_ =	shalt  }
0x40: {  	_ =	shalt  }
0x41: {  	_ =	shalt  }
0x42: {  	_ =	shalt  }
0x43: {  	_ =	shalt  }
0x44: {  	_ =	shalt  }
0x45: {  	_ =	shalt  }
0x46: {  	_ =	shalt  }
0x47: {  	_ =	shalt  }
0x48: {  	_ =	shalt  }
0x49: {  	_ =	shalt  }
0x4a: {  	_ =	shalt  }
0x4b: {  	_ =	shalt  }
0x4c: {  	_ =	shalt  }
0x4d: {  	_ =	shalt  }
0x4e: {  	_ =	shalt  }
0x4f: {  	_ =	shalt  }
0x50: {  	_ =	shalt  }
0x51: {  	_ =	shalt  }
0x52: {  	_ =	shalt  }
0x53: {  	_ =	shalt  }
0x54: {  	_ =	shalt  }
0x55: {  	_ =	shalt  }
0x56: {  	_ =	shalt  }
0x57: {  	_ =	shalt  }
0x58: {  	_ =	shalt  }
0x59: {  	_ =	shalt  }
0x5a: {  	_ =	shalt  }
0x5b: {  	_ =	shalt  }
0x5c: {  	_ =	shalt  }
0x5d: {  	_ =	shalt  }
0x5e: {  	_ =	shalt  }
0x5f: {  	_ =	shalt  }
0x60: {  	_ =	shalt  }
0x61: {  	_ =	shalt  }
0x62: {  	_ =	shalt  }
0x63: {  	_ =	shalt  }
0x64: {  	_ =	shalt  }
0x65: {  	_ =	shalt  }
0x66: {  	_ =	shalt  }
0x67: {  	_ =	shalt  }
0x68: {  	_ =	shalt  }
0x69: {  	_ =	shalt  }
0x6a: {  	_ =	shalt  }
0x6b: {  	_ =	shalt  }
0x6c: {  	_ =	shalt  }
0x6d: {  	_ =	shalt  }
0x6e: {  	_ =	shalt  }
0x6f: {  	_ =	shalt  }
0x70: {  	_ =	shalt  }
0x71: {  	_ =	shalt  }
0x72: {  	_ =	shalt  }
0x73: {  	_ =	shalt  }
0x74: {  	_ =	shalt  }
0x75: {  	_ =	shalt  }
0x76: {  	_ =	shalt  }
0x77: {  	_ =	shalt  }
0x78: {  	_ =	shalt  }
0x79: {  	_ =	shalt  }
0x7a: {  	_ =	shalt  }
0x7b: {  	_ =	shalt  }
0x7c: {  	_ =	shalt  }
0x7d: {  	_ =	shalt  }
0x7e: {  	_ =	shalt  }
0x7f: {  	_ =	shalt  }
0x80: {  	_ =	shalt  }
0x81: {  	_ =	shalt  }
0x82: {  	_ =	shalt  }
0x83: {  	_ =	shalt  }
0x84: {  	_ =	shalt  }
0x85: {  	_ =	shalt  }
0x86: {  	_ =	shalt  }
0x87: {  	_ =	shalt  }
.Lfunc_end0:
.L_simem_size_0:
called_computation.1_lowered:
.L_overlay_start_0:
0x88: {  	s2 =	sld [smem:$0x3FD9]  }
0x89: {  	s3 =	sld [smem:$0x3FFE];
	_ =	sdelay $0x1  }
0x8a: {  	s1 =	srdreg.scid  }
0x8b: {  	s0 =	sand.u32 $0x1, s1  }
0x8c: {  	s14 =	sshll.u32 s0, $0xA;
	s2 =	sadd.s32 s3, s2  }
0x8d: {  	s2 =	sadd.s32 s2, s14  }
0x8e: {  	[smem:$0x3FC1] =	sst s2  }
0x8f: {  	_ = 	snop  }
0x90: {  	s2 =	sld [smem:$0x3FD0];
	_ =	sdelay $0x2  }
0x91: {  	s15 =	simm.s32 $0xA;
	s4 =	simm.s32 $0x10  }
0x92: {  	[smem:s4], [sflag:s15] =	dma.local [hbm:s2], $0x1  }
0x93: {  	_ =	swait.eq [sflag:s15], $0x1  }
0x94: {  	[sflag:s15] =	ssyncset.done $0x0  }
0x95: {  	[sflag:s15] =	ssyncadd.s32 $0xFFFFFFFF  }
0x96: {  	s16 =	sld [smem:$0x10];
	(tm) =	ssettm $0x1  }
0x97: {  	s17 =	sld [smem:$0x3FFB];
	_ =	sdelay $0x3  }
0x98: {  	_ =	strace s17  }
0x99: {  	s3 =	sld [smem:$0x3FFC];
	_ =	sdelay $0x3  }
0x9a: {  	_ =	strace s3  }
0x9b: {  	s3 =	sld [smem:$0x3FFD];
	_ =	sdelay $0x3  }
0x9c: {  	_ =	strace s3  }
0x9d: {  	_ =	strace $0x8FFFFFFF  }
0x9e: {  	s18 =	sld [smem:$0x3FDB];
	_ =	sdelay $0x1  }
0x9f: {  	s19 =	simm.s32 $_scs_section_size  }
0xa0: {  	s5 =	simm.s32 $_size__tile_overlayer_lowered;
	s6 =	simm.s32 $_tile_overlayer_lowered  }
0xa1: {  	s22 =	simm.s32 $0x1BFF;
	s21 =	sshll.u32 s6, $0x1;
	s3 =	sadd.s32 s19, s18  }
0xa2: {  	s7 =	simm.s32 $0x0;
	s20 =	sshll.u32 s5, $0x1;
	s5 =	sadd.s32 s21, s3  }
0xa3: {  	[timem:s7], [sflag:s22] =	dma.local [hbm:s5], s20  }
0xa4: {  	_ =	swait.ge [sflag:s22], s20  }
0xa5: {  	s4 =	ssub.s32 $0x0, s20;
	[sflag:s22] =	ssyncset.done $0x0  }
0xa6: {  	[sflag:s22] =	ssyncadd.s32 s4;
	_ =	sdelay $0x1  }
0xa7: {  	s23 =	simm.s32 $0x1B8B  }
0xa8: {  	_ =	swait.ge [sflag:s23], $0x1  }
0xa9: {  	[sflag:s23] =	ssyncset.done $0x0  }
0xaa: {  	s25 =	simm.s32 $0x1B8E;
	s24 =	sld [smem:$0x3FFE];
	[sflag:s23] =	ssyncadd.s32 $0xFFFFFFFF  }
0xab: {  	s26 =	simm.s32 $execute0_lowered;
	[smem:$0x3FD2] =	sst s25  }
0xac: {  	s5 =	sshll.u32 s26, $0x1;
	_ =	strace $0x80000049;
	[dreg:$0x1] =	wrdreg $0xFFFFFFFF  }
0xad: {  	s28 =	simm.s32 $_size_execute0_lowered;
	s3 =	sadd.s32 s3, s5;
	[dreg:$0x0] =	wrdreg $0x0  }
0xae: {  	s5 =	sshll.u32 s28, $0x1;
	[dreg:$0x2] =	wrdreg s3  }
0xaf: {  	[dreg:$0x3] =	wrdreg s5  }
0xb0: {  	[dreg:$0x4] =	wrdreg $0xC0  }
0xb1: {  	_ =	task [dreg:s7], $0x5FFFF  }
0xb2: {  	[dreg:$0x1] =	wrdreg $0xFFFFFFFF  }
0xb3: {  	[dreg:$0x0] =	wrdreg $0x60  }
0xb4: {  	[dreg:$0x2] =	wrdreg s24  }
0xb5: {  	[dreg:$0x3] =	wrdreg s16  }
0xb6: {  	[dreg:$0x4] =	wrdreg $0x12D000  }
0xb7: {  	[dreg:$0x5] =	wrdreg $0x9  }
0xb8: {  	_ =	task.clear_ibuf [dreg:s7], $0x6FFFF;
	_ =	strace $0x90000049  }
0xb9: {  	s29 =	simm.s32 $0x9;
	_ =	strace $0x8000004B  }
0xba: {  	_ =	swait.ge [sflag:s29], $0x1  }
0xbb: {  	[sflag:s29] =	ssyncadd.s32 $0xFFFFFFFF  }
0xbc: {  	_ =	strace $0x9000004B  }
0xbd: {  	_ =	sfence  }
0xbe: {  	s30 =	sld [smem:$0x0];
	_ =	sdelay $0x2  }
0xbf: {  	s31 =	sshll.u32 s1, $0xD;
	s1 =	sshrl.u32 s1, $0x2  }
0xc0: {  	s3 =	sand.u32 $0x4000, s31;
	s1 =	sadd.s32 s1, s30  }
0xc1: {  	s0 =	sor.u32 s3, s0;
	s1 =	sshll.u32 s1, $0x11  }
0xc2: {  	s0 =	sor.u32 s1, s0  }
0xc3: {  	s0 =	sadd.s32 $0x8F2B, s0  }
0xc4: {  	[sflag:s0] =	ssyncadd.remote.s32 $0x1  }
0xc5: {  	_ =	sfence.sel $0xFFFF  }
0xc6: {  	[dreg:$0x0] =	wrdreg $0xFFFFFFFF;
	(pc) =	sbr.abs _section_cstart, $3  }
0xc7: {  	[dreg:$0x1] =	wrdreg $0xFFFFFFFF  }
0xc8: {  	_ =	task.clear_ibuf [dreg:s7], $0x2FFFF;
	_ =	strace $0x9FFFFFFF  }
0xc9: {  	(tm) =	ssettm $0x7FFFFFFF  }
tec
execute0_lowered:
.L_overlay_start_1:
0x0: {  	(tag) =	ssettag $0x1  }
0x1: {  	s6 =	rddreg [dreg:$0x0]  }
0x2: {  	s2 =	rddreg [dreg:$0x1]  }
0x3: {  	s3 =	rddreg [dreg:$0x2]  }
0x4: {  	s0 =	rddreg [dreg:$0x3];
	s1 =	stileid.u32  }
0x5: {  	s5 =	srdreg.scid;
	s4 =	simm.s32 $0x0;
	s15 =	simm.s32 $0x80  }
0x6: {  	s16 =	simm.s32 $0xED00;
	s17 =	simm.s32 $0x10D00;
	s18 =	simm.s32 $0x1  }
0x7: {  	s19 =	simm.s32 $0x2;
	s7 =	smul.u32 $0x9E0, s1;
	s8 =	sand.u32 $0x1, s5  }
0x8: {  	[smem:$0x7FF] =	sst s4;
	s5 =	sadd.s32 $0x15A00, s6;
	s11 =	smul.u32 $0xA000, s1  }
0x9: {  	s13 =	sshll.u32 s1, $0x6;
	s9 =	smul.u32 $0x14000, s8;
	_ =	strace $0x8000004A  }
0xa: {  	s30 =	smul.u32 $0x9E00, s8;
	s31 =	ssub.s32 $0x2, s8;
	s13 =	sor.u32 $0x1C03, s13  }
0xb: {  	s10 =	sadd.s32 s7, s6;
	s8 =	sshrl.u32 s31, $0x1;
	s14 =	sadd.s32 s11, s3  }
0xc: {  	s21 =	sshrl.u32 s11, $0x3;
	s11 =	simm.s32 $0x4F00;
	s9 =	sadd.s32 s9, s6  }
0xd: {  	s7 =	sadd.s32 s30, s10;
	s12 =	ssub.s32 s31, s8;
	s8 =	sadd.s32 $0x1E00, s10  }
0xe: {  	s14 =	sshrl.u32 s14, $0x3;
	s6 =	sadd.s32 $0x1FA00, s7;
	s7 =	sadd.s32 $0xBC00, s10  }
0xf: {  	s20 =	sadd.s32 $0x33600, s9;
	s9 =	smax.u32 s12, $0x1;
	s10 =	simm.s32 $0x3  }
0x10: {  	s12 =	simm.s32 $0x9E00;
	s20 =	sadd.s32 s21, s20;
	s21 =	simm.s32 $0x0  }
.LBB2_1:
0x11: {  	[tilespmem:s4], [sflag:$0x3] =	stream.linear.gather [hbm4b:s6+s4], $0x4F00, $0x38;
	[tilespmem:$0x1CD00] =	vst v63  }
0x12: {  	_ =	swait.ge [sflag:s10], $0x4F00  }
0x13: {  	[sflag:s10] =	ssyncset.done $0x0  }
0x14: {  	[sflag:s10] =	ssyncadd.s32 $0xFFFFB100  }
0x15: {  	[tilespmem:s11], [sflag:$0x3] =	stream.linear.gather [hbm4b:s7+s4], $0x4F00, $0x38;
	[tilespmem:$0x1CD00] =	vst v63  }
0x16: {  	_ =	swait.ge [sflag:s10], $0x4F00  }
0x17: {  	[sflag:s10] =	ssyncset.done $0x0  }
0x18: {  	[sflag:s10] =	ssyncadd.s32 $0xFFFFB100  }
0x19: {  	[tilespmem:s12], [sflag:$0x3] =	stream.linear.gather [hbm4b:s8+s4], $0x4F00, $0x38;
	[tilespmem:$0x1CD00] =	vst v63  }
0x1a: {  	_ =	swait.ge [sflag:s10], $0x4F00  }
0x1b: {  	[sflag:s10] =	ssyncset.done $0x0  }
0x1c: {  	[sflag:s10] =	ssyncadd.s32 $0xFFFFB100  }
0x1d: {  	[spmem:s14], [sflag:s13] =	dma.local [hbm:s5], $0x1400  }
0x1e: {  	_ =	swait.ge [sflag:s10], $0x1400  }
0x1f: {  	[sflag:s10] =	ssyncset.done $0x0  }
0x20: {  	[sflag:s10] =	ssyncadd.s32 $0xFFFFEC00  }
0x21: {  	s22 =	simm.s32 $0x0;
	[bflag:$0x0] =	sbarrier.arrive $0xFFFF  }
0x22: {  	[tilespmem:s16], [sflag:$0x1] =	stream.indirect.gather [hbm4b:s2+s15], $0x40, s4, s15, $0xb8;
	[tilespmem:$0x1CD00] =	vst v63  }
.LBB2_2:
0x23: {  	s24 =	simm.s32 $0x0  }
0x24: {  	s23 =	sshll.u32 s22, $0x8;
	s25 =	simm.s32 $0x2;
	v1 =	vmov s24  }
0x25: {  	s29 =	sshllo.u32 s22, $0x1;
	v0 =	vmov s23;
	v3 =	vmov s25;
	v1 =	vand.u32 $0x7C, v1  }
0x26: {  	s26 =	simm.s32 $0x3;
	s24 =	simm.s32 $0x1;
	s23 =	sshll.u32 s29, $0x7;
	v3 =	vand.u32 $0x7E, v3;
	v1 =	vor.u32 v0, v1  }
0x27: {  	v2 =	vmov s24;
	[tilespmem:s17], [sflag:$0x2] =	stream.indirect.gather [hbm4b:s2+s15], $0x40, s23, s15, $0xb8;
	v3 =	vor.u32 v0, v3;
	v1 =	vbroadcast v1, $0x0;
	[tilespmem:$0x1CD00] =	vst v63  }
0x28: {  	v4 =	vmov s26;
	v2 =	vand.u32 $0x7D, v2;
	_ =	swait.ge [sflag:s18], $0x2000;
	v5 =	vbroadcast v3, $0x0  }
0x29: {  	v4 =	vand.u32 $0x7F, v4;
	v2 =	vor.u32 v0, v2;
	[sflag:s18] =	ssyncset.done $0x0  }
0x2a: {  	s24 =	simm.s32 $0xED80;
	v3 =	vor.u32 v0, v4;
	v2 =	vbroadcast v2, $0x0;
	[sflag:s18] =	ssyncadd.s32 $0xFFFFE000  }
0x2b: {  	v4 =	vbroadcast v3, $0x0;
	v6 =	vld [tilespmem:s24+$0xFFFFFF80]  }
0x2c: {  	v7 =	vld [tilespmem:s24+$0xFFFFFF90]  }
0x2d: {  	v9 =	vld.idx.msk [tilespmem:v1+s12+$0x0], $0xffff  }
0x2e: {  	v1 =	vld.idx.msk [tilespmem:v5+s12+$0x0], $0xffff  }
0x2f: {  	v5 =	vld [tilespmem:s24+$0x70]  }
0x30: {  	v3 =	vld.idx.msk [tilespmem:v2+s12+$0x0], $0xffff  }
0x31: {  	v2 =	vld.idx.msk [tilespmem:v4+s12+$0x0], $0xffff  }
0x32: {  	v8 =	vld [tilespmem:s24+$0xFFFFFFA0]  }
0x33: {  	s25 =	simm.s32 $0x4;
	v11 =	vld [tilespmem:s24+$0xFFFFFFB0]  }
0x34: {  	s30 =	simm.s32 $0x5;
	v10 =	vmov s25;
	v4 =	vld [tilespmem:s24+$0xFFFFFFC0];
	v13 =	vmul.f32 v6, v9  }
0x35: {  	s31 =	simm.s32 $0x6;
	v12 =	vmov s30;
	v10 =	vand.u32 $0x7C, v10;
	v6 =	vld [tilespmem:s24+$0xFFFFFFD0];
	v15 =	vmul.f32 v7, v9  }
0x36: {  	v14 =	vor.u32 v0, v10;
	v10 =	vmov s31;
	v7 =	vld [tilespmem:s24+$0xFFFFFFE0];
	v5 =	vmul.f32 v5, v2;
	[tilespmem:s24+$0xFFFFFF80] =	vst v13  }
0x37: {  	v16 =	vand.u32 $0x7D, v12;
	v12 =	vand.u32 $0x7E, v10;
	v10 =	vmul.f32 v8, v9;
	v8 =	vld [tilespmem:s24+$0xFFFFFFF0];
	[tilespmem:s24+$0xFFFFFF90] =	vst v15  }
0x38: {  	s28 =	simm.s32 $0x7;
	s26 =	simm.s32 $0x8;
	s25 =	simm.s32 $0xED80;
	v11 =	vmul.f32 v11, v9;
	v9 =	vld [tilespmem:s24+$0x0];
	v13 =	vor.u32 v0, v16;
	[tilespmem:s24+$0x70] =	vst v5;
	v5 =	vbroadcast v14, $0x0  }
.LBB2_3:
0x39: {  	p0 =	slt.u32 s26, $0x7C;
	v12 =	vor.u32 v0, v12;
	v14 =	vmov s28;
	[tilespmem:s24+$0xFFFFFFA0] =	vst v10;
	v4 =	vmul.f32 v4, v3;
	v10 =	vld [tilespmem:s24+$0x10]  }
0x3a: {  	v13 =	vbroadcast v13, $0x0;
	v14 =	vand.u32 $0x7F, v14;
	[tilespmem:s24+$0xFFFFFFB0] =	vst v11;
	v6 =	vmul.f32 v6, v3;
	v11 =	vld [tilespmem:s24+$0x20]  }
0x3b: {  	v12 =	vbroadcast v12, $0x0;
	v14 =	vor.u32 v0, v14;
	[tilespmem:s24+$0xFFFFFFC0] =	vst v4;
	v4 =	vmul.f32 v7, v3;
	v7 =	vld [tilespmem:s24+$0x30]  }
0x3c: {  	v14 =	vbroadcast v14, $0x0;
	[tilespmem:s24+$0xFFFFFFD0] =	vst v6;
	v3 =	vmul.f32 v8, v3;
	v6 =	vld [tilespmem:s24+$0x40]  }
0x3d: {  	[tilespmem:s24+$0xFFFFFFE0] =	vst v4;
	v4 =	vmul.f32 v9, v1;
	v8 =	vld [tilespmem:s24+$0x50]  }
0x3e: {  	[tilespmem:s24+$0xFFFFFFF0] =	vst v3;
	v9 =	vmul.f32 v10, v1;
	v10 =	vld [tilespmem:s24+$0x60]  }
0x3f: {  	v15 =	vld.idx.msk [tilespmem:v5+s12+$0x0], $0xffff;
	[tilespmem:s24+$0x0] =	vst v4;
	v4 =	vmul.f32 v11, v1  }
0x40: {  	v3 =	vld.idx.msk [tilespmem:v13+s12+$0x0], $0xffff;
	[tilespmem:s24+$0x10] =	vst v9;
	v5 =	vmul.f32 v7, v1  }
0x41: {  	v1 =	vld.idx.msk [tilespmem:v12+s12+$0x0], $0xffff;
	[tilespmem:s24+$0x20] =	vst v4;
	v4 =	vmul.f32 v6, v2  }
0x42: {  	s24 =	sadd.s32 $0x100, s24;
	v6 =	vld.idx.msk [tilespmem:v14+s12+$0x0], $0xffff;
	[tilespmem:s25+$0x30] =	vst v5;
	v5 =	vmul.f32 v8, v2  }
0x43: {  	v7 =	vld [tilespmem:s24+$0x70];
	[tilespmem:s25+$0x40] =	vst v4;
	v2 =	vmul.f32 v10, v2  }
0x44: {  	v8 =	vld [tilespmem:s24+$0xFFFFFF80];
	[tilespmem:s25+$0x50] =	vst v5  }
0x45: {  	v5 =	vld [tilespmem:s24+$0xFFFFFF90];
	[tilespmem:s25+$0x60] =	vst v2;
	s25 =	smov.u32 s24  }
0x46: {  	v9 =	vld [tilespmem:s24+$0xFFFFFFA0]  }
0x47: {  	v11 =	vld [tilespmem:s24+$0xFFFFFFB0]  }
.Ltmp0:
0x48: {  	s28 =	sadd.s32 $0x1, s26;
	v10 =	vmov s26;
	v2 =	vmov v6;
	v4 =	vld [tilespmem:s24+$0xFFFFFFC0];
	v12 =	vmul.f32 v7, v6;
	(pc) =	sbr.rel @p0 .LBB2_3-.Ltmp0, $4  }
0x49: {  	v7 =	vand.u32 $0x7C, v10;
	v10 =	vmov s28;
	s28 =	sadd.s32 $0x2, s26;
	v8 =	vmul.f32 v8, v15;
	v6 =	vld [tilespmem:s24+$0xFFFFFFD0]  }
0x4a: {  	v13 =	vor.u32 v0, v7;
	v14 =	vmov s28;
	v16 =	vmul.f32 v5, v15;
	v7 =	vld [tilespmem:s24+$0xFFFFFFE0];
	[tilespmem:s24+$0x70] =	vst v12  }
0x4b: {  	v17 =	vand.u32 $0x7D, v10;
	v12 =	vand.u32 $0x7E, v14;
	[tilespmem:s24+$0xFFFFFF80] =	vst v8;
	v10 =	vmul.f32 v9, v15;
	v8 =	vld [tilespmem:s24+$0xFFFFFFF0]  }
0x4c: {  	s28 =	sadd.s32 $0x3, s26;
	s26 =	sadd.s32 $0x4, s26;
	v5 =	vbroadcast v13, $0x0;
	v13 =	vor.u32 v0, v17;
	[tilespmem:s24+$0xFFFFFF90] =	vst v16;
	v11 =	vmul.f32 v11, v15;
	v9 =	vld [tilespmem:s24+$0x0]  }
0x4d: {  	v15 =	vld [tilespmem:s24+$0x10]  }
0x4e: {  	v16 =	vld [tilespmem:s24+$0x20]  }
0x4f: {  	v14 =	vmov s28;
	v17 =	vld [tilespmem:s24+$0x40]  }
0x50: {  	v13 =	vbroadcast v13, $0x0;
	[tilespmem:s24+$0xFFFFFFA0] =	vst v10;
	v4 =	vmul.f32 v4, v3;
	v10 =	vld [tilespmem:s24+$0x50];
	v14 =	vand.u32 $0x7F, v14  }
0x51: {  	v12 =	vor.u32 v0, v12;
	[tilespmem:s24+$0xFFFFFFB0] =	vst v11;
	v6 =	vmul.f32 v6, v3;
	v11 =	vld [tilespmem:s24+$0x60];
	v0 =	vor.u32 v0, v14  }
0x52: {  	v14 =	vld [tilespmem:s24+$0x30];
	[tilespmem:s24+$0xFFFFFFC0] =	vst v4;
	v4 =	vmul.f32 v7, v3;
	v0 =	vbroadcast v0, $0x0  }
0x53: {  	s26 =	sadd.s32 $0x100, s24;
	v5 =	vld.idx.msk [tilespmem:v5+s12+$0x0], $0xffff;
	[tilespmem:s24+$0xFFFFFFD0] =	vst v6;
	v3 =	vmul.f32 v8, v3  }
0x54: {  	v8 =	vld [tilespmem:s26+$0x70];
	[tilespmem:s24+$0xFFFFFFE0] =	vst v4;
	v4 =	vmul.f32 v9, v1  }
0x55: {  	v12 =	vbroadcast v12, $0x0;
	v9 =	vld [tilespmem:s26+$0xFFFFFF90];
	[tilespmem:s24+$0xFFFFFFF0] =	vst v3;
	v3 =	vmul.f32 v15, v1  }
0x56: {  	v6 =	vld.idx.msk [tilespmem:v13+s12+$0x0], $0xffff;
	[tilespmem:s24+$0x0] =	vst v4;
	v4 =	vmul.f32 v16, v1  }
0x57: {  	[tilespmem:s24+$0x10] =	vst v3;
	v1 =	vmul.f32 v14, v1;
	v3 =	vld [tilespmem:s26+$0xFFFFFF80]  }
0x58: {  	[tilespmem:s24+$0x20] =	vst v4;
	v4 =	vmul.f32 v17, v2;
	v0 =	vld.idx.msk [tilespmem:v0+s12+$0x0], $0xffff  }
0x59: {  	[tilespmem:s25+$0x30] =	vst v1;
	v1 =	vmul.f32 v10, v2;
	v10 =	vld [tilespmem:s26+$0xFFFFFFA0]  }
0x5a: {  	[tilespmem:s25+$0x40] =	vst v4;
	v4 =	vld [tilespmem:s26+$0xFFFFFFB0]  }
0x5b: {  	v7 =	vld.idx.msk [tilespmem:v12+s12+$0x0], $0xffff;
	v2 =	vmul.f32 v11, v2  }
0x5c: {  	v9 =	vmul.f32 v9, v5;
	[tilespmem:s25+$0x50] =	vst v1;
	v1 =	vld [tilespmem:s26+$0xFFFFFFC0]  }
0x5d: {  	[tilespmem:s25+$0x60] =	vst v2;
	v2 =	vmul.f32 v3, v5;
	v3 =	vld [tilespmem:s26+$0xFFFFFFD0]  }
0x5e: {  	v11 =	vld [tilespmem:s26+$0xFFFFFFE0];
	[tilespmem:s26+$0xFFFFFF90] =	vst v9;
	v8 =	vmul.f32 v8, v0  }
0x5f: {  	[tilespmem:s26+$0xFFFFFF80] =	vst v2;
	v2 =	vmul.f32 v10, v5;
	v4 =	vmul.f32 v4, v5;
	v5 =	vld [tilespmem:s26+$0x0]  }
0x60: {  	[tilespmem:s26+$0x70] =	vst v8;
	v8 =	vld [tilespmem:s26+$0xFFFFFFF0]  }
0x61: {  	[tilespmem:s26+$0xFFFFFFA0] =	vst v2;
	v1 =	vmul.f32 v1, v6;
	v2 =	vld [tilespmem:s26+$0x10]  }
0x62: {  	[tilespmem:s26+$0xFFFFFFB0] =	vst v4;
	v3 =	vmul.f32 v3, v6  }
0x63: {  	v9 =	vld [tilespmem:s26+$0x30];
	[tilespmem:s26+$0xFFFFFFC0] =	vst v1;
	v1 =	vmul.f32 v11, v6  }
0x64: {  	v4 =	vld [tilespmem:s26+$0x20];
	[tilespmem:s26+$0xFFFFFFD0] =	vst v3  }
0x65: {  	[tilespmem:s26+$0xFFFFFFE0] =	vst v1;
	v1 =	vmul.f32 v5, v7;
	v5 =	vld [tilespmem:s26+$0x50];
	v3 =	vmul.f32 v8, v6  }
0x66: {  	v6 =	vld [tilespmem:s26+$0x40];
	v2 =	vmul.f32 v2, v7  }
0x67: {  	[tilespmem:s26+$0xFFFFFFF0] =	vst v3;
	v3 =	vld [tilespmem:s26+$0x60]  }
0x68: {  	[tilespmem:s26+$0x10] =	vst v2;
	v2 =	vmul.f32 v9, v7  }
0x69: {  	[tilespmem:s26+$0x0] =	vst v1;
	v1 =	vmul.f32 v4, v7  }
0x6a: {  	[tilespmem:s26+$0x30] =	vst v2;
	v2 =	vmul.f32 v5, v0  }
0x6b: {  	[tilespmem:s26+$0x20] =	vst v1;
	v1 =	vmul.f32 v6, v0  }
0x6c: {  	s24 =	sshll.u32 s22, $0xA;
	[tilespmem:s26+$0x50] =	vst v2;
	v0 =	vmul.f32 v3, v0  }
0x6d: {  	s29 =	simm.s32 $0x0;
	s30 =	simm.s32 $0x1;
	s31 =	sshrl.u32 s24, $0x2;
	[tilespmem:s26+$0x40] =	vst v1  }
0x6e: {  	p0 =	seq.s32 s22, $0x4E;
	s25 =	sadd.s32 $0x4F00, s31;
	s31 =	simm.s32 $0x2;
	v1 =	vmov s29;
	[tilespmem:s26+$0x60] =	vst v0  }
0x6f: {  	v2 =	vmov s30;
	v1 =	vand.u32 $0x7C, v1;
	v0 =	vmov s23;
	[spmem:s3] =	stream.indirect.scatter.add.f32 [tilespmem:s16], [sflag:$0x3], $0x40, s25, s15, $0xb8;
	[tilespmem:$0x1CD00] =	vst v63  }
0x70: {  	s24 =	sshrl.u32 @!p0 s24, $0x2;
	v3 =	vmov s31;
	v2 =	vand.u32 $0x7D, v2;
	v1 =	vor.u32 v0, v1;
	_ =	swait.ge [sflag:s10], $0x2000  }
0x71: {  	s24 =	sadd.s32 @!p0 $0x100, s24;
	v3 =	vand.u32 $0x7E, v3;
	s26 =	simm.s32 $0x3;
	v2 =	vor.u32 v0, v2;
	v1 =	vbroadcast v1, $0x0;
	[sflag:s10] =	ssyncset.done $0x0  }
0x72: {  	v4 =	vmov s26;
	s25 =	simm.s32 @!p0 $0x80;
	s26 =	simm.s32 @!p0 $0xED00;
	v3 =	vor.u32 v0, v3;
	v2 =	vbroadcast v2, $0x0;
	[sflag:s10] =	ssyncadd.s32 $0xFFFFE000  }
0x73: {  	v5 =	vbroadcast v3, $0x0;
	[tilespmem:s26], [sflag:$0x1] =	stream.indirect.gather @!p0 [hbm4b:s2+s25], $0x40, s24, s25, $0xb8;
	[tilespmem:$0x1CD00] =	vst v63  }
0x74: {  	_ =	swait.ge [sflag:s19], $0x2000  }
0x75: {  	v4 =	vand.u32 $0x7F, v4;
	[sflag:s19] =	ssyncset.done $0x0  }
0x76: {  	v3 =	vor.u32 v0, v4;
	[sflag:s19] =	ssyncadd.s32 $0xFFFFE000  }
0x77: {  	v4 =	vbroadcast v3, $0x0;
	v9 =	vld.idx.msk [tilespmem:v1+s12+$0x0], $0xffff  }
0x78: {  	v3 =	vld.idx.msk [tilespmem:v2+s12+$0x0], $0xffff  }
0x79: {  	s24 =	simm.s32 $0x10D80;
	v1 =	vld.idx.msk [tilespmem:v5+s12+$0x0], $0xffff  }
0x7a: {  	v5 =	vld [tilespmem:s24+$0x70]  }
0x7b: {  	v6 =	vld [tilespmem:s24+$0xFFFFFF80]  }
0x7c: {  	v7 =	vld [tilespmem:s24+$0xFFFFFF90]  }
0x7d: {  	v2 =	vld.idx.msk [tilespmem:v4+s12+$0x0], $0xffff  }
0x7e: {  	v8 =	vld [tilespmem:s24+$0xFFFFFFA0]  }
0x7f: {  	s29 =	simm.s32 $0x4;
	v11 =	vld [tilespmem:s24+$0xFFFFFFB0]  }
0x80: {  	s30 =	simm.s32 $0x5;
	v10 =	vmov s29;
	v4 =	vld [tilespmem:s24+$0xFFFFFFC0];
	v13 =	vmul.f32 v6, v9  }
0x81: {  	v12 =	vmov s30;
	s31 =	simm.s32 $0x6;
	v10 =	vand.u32 $0x7C, v10;
	v6 =	vld [tilespmem:s24+$0xFFFFFFD0];
	v15 =	vmul.f32 v7, v9  }
0x82: {  	v14 =	vor.u32 v0, v10;
	v10 =	vmov s31;
	v7 =	vld [tilespmem:s24+$0xFFFFFFE0];
	v5 =	vmul.f32 v5, v2;
	[tilespmem:s24+$0xFFFFFF80] =	vst v13  }
0x83: {  	v63 =	vand.u32 $0x7D, v12;
	v12 =	vand.u32 $0x7E, v10;
	v10 =	vmul.f32 v8, v9;
	v8 =	vld [tilespmem:s24+$0xFFFFFFF0];
	[tilespmem:s24+$0xFFFFFF90] =	vst v15  }
0x84: {  	s28 =	simm.s32 $0x7;
	s26 =	simm.s32 $0x8;
	s25 =	simm.s32 $0x10D80;
	v11 =	vmul.f32 v11, v9;
	v9 =	vld [tilespmem:s24+$0x0];
	v13 =	vor.u32 v0, v63;
	[tilespmem:s24+$0x70] =	vst v5;
	v5 =	vbroadcast v14, $0x0  }
.LBB2_5:
0x85: {  	p0 =	slt.u32 s26, $0x7C;
	v12 =	vor.u32 v0, v12;
	v14 =	vmov s28;
	[tilespmem:s24+$0xFFFFFFA0] =	vst v10;
	v4 =	vmul.f32 v4, v3;
	v10 =	vld [tilespmem:s24+$0x10]  }
0x86: {  	v13 =	vbroadcast v13, $0x0;
	v14 =	vand.u32 $0x7F, v14;
	[tilespmem:s24+$0xFFFFFFB0] =	vst v11;
	v6 =	vmul.f32 v6, v3;
	v11 =	vld [tilespmem:s24+$0x20]  }
0x87: {  	v12 =	vbroadcast v12, $0x0;
	v14 =	vor.u32 v0, v14;
	[tilespmem:s24+$0xFFFFFFC0] =	vst v4;
	v4 =	vmul.f32 v7, v3;
	v7 =	vld [tilespmem:s24+$0x30]  }
0x88: {  	v14 =	vbroadcast v14, $0x0;
	[tilespmem:s24+$0xFFFFFFD0] =	vst v6;
	v3 =	vmul.f32 v8, v3;
	v6 =	vld [tilespmem:s24+$0x40]  }
0x89: {  	[tilespmem:s24+$0xFFFFFFE0] =	vst v4;
	v4 =	vmul.f32 v9, v1;
	v8 =	vld [tilespmem:s24+$0x50]  }
0x8a: {  	[tilespmem:s24+$0xFFFFFFF0] =	vst v3;
	v9 =	vmul.f32 v10, v1;
	v10 =	vld [tilespmem:s24+$0x60]  }
0x8b: {  	v15 =	vld.idx.msk [tilespmem:v5+s12+$0x0], $0xffff;
	[tilespmem:s24+$0x0] =	vst v4;
	v4 =	vmul.f32 v11, v1  }
0x8c: {  	v3 =	vld.idx.msk [tilespmem:v13+s12+$0x0], $0xffff;
	[tilespmem:s24+$0x10] =	vst v9;
	v5 =	vmul.f32 v7, v1  }
0x8d: {  	v1 =	vld.idx.msk [tilespmem:v12+s12+$0x0], $0xffff;
	[tilespmem:s24+$0x20] =	vst v4;
	v4 =	vmul.f32 v6, v2  }
0x8e: {  	s24 =	sadd.s32 $0x100, s24;
	v6 =	vld.idx.msk [tilespmem:v14+s12+$0x0], $0xffff;
	[tilespmem:s25+$0x30] =	vst v5;
	v5 =	vmul.f32 v8, v2  }
0x8f: {  	v7 =	vld [tilespmem:s24+$0x70];
	[tilespmem:s25+$0x40] =	vst v4;
	v2 =	vmul.f32 v10, v2  }
0x90: {  	v8 =	vld [tilespmem:s24+$0xFFFFFF80];
	[tilespmem:s25+$0x50] =	vst v5  }
0x91: {  	v5 =	vld [tilespmem:s24+$0xFFFFFF90];
	[tilespmem:s25+$0x60] =	vst v2;
	s25 =	smov.u32 s24  }
0x92: {  	v9 =	vld [tilespmem:s24+$0xFFFFFFA0]  }
0x93: {  	v11 =	vld [tilespmem:s24+$0xFFFFFFB0]  }
.Ltmp1:
0x94: {  	s28 =	sadd.s32 $0x1, s26;
	v10 =	vmov s26;
	v2 =	vmov v6;
	v4 =	vld [tilespmem:s24+$0xFFFFFFC0];
	v12 =	vmul.f32 v7, v6;
	(pc) =	sbr.rel @p0 .LBB2_5-.Ltmp1, $4  }
0x95: {  	v7 =	vand.u32 $0x7C, v10;
	v10 =	vmov s28;
	s28 =	sadd.s32 $0x2, s26;
	v8 =	vmul.f32 v8, v15;
	v6 =	vld [tilespmem:s24+$0xFFFFFFD0]  }
0x96: {  	v13 =	vor.u32 v0, v7;
	v14 =	vmov s28;
	v16 =	vmul.f32 v5, v15;
	v7 =	vld [tilespmem:s24+$0xFFFFFFE0];
	[tilespmem:s24+$0x70] =	vst v12  }
0x97: {  	v17 =	vand.u32 $0x7D, v10;
	v12 =	vand.u32 $0x7E, v14;
	[tilespmem:s24+$0xFFFFFF80] =	vst v8;
	v10 =	vmul.f32 v9, v15;
	v8 =	vld [tilespmem:s24+$0xFFFFFFF0]  }
0x98: {  	s28 =	sadd.s32 $0x3, s26;
	s26 =	sadd.s32 $0x4, s26;
	v5 =	vbroadcast v13, $0x0;
	v13 =	vor.u32 v0, v17;
	[tilespmem:s24+$0xFFFFFF90] =	vst v16;
	v11 =	vmul.f32 v11, v15;
	v9 =	vld [tilespmem:s24+$0x0]  }
0x99: {  	v15 =	vld [tilespmem:s24+$0x10]  }
0x9a: {  	v16 =	vld [tilespmem:s24+$0x20]  }
0x9b: {  	v25 =	vld [tilespmem:s24+$0x30]  }
0x9c: {  	v17 =	vld [tilespmem:s24+$0x40]  }
0x9d: {  	[tilespmem:s24+$0xFFFFFFA0] =	vst v10;
	v4 =	vmul.f32 v4, v3;
	v26 =	vld [tilespmem:s24+$0x50]  }
0x9e: {  	v27 =	vld [tilespmem:s24+$0x60];
	[tilespmem:s24+$0xFFFFFFB0] =	vst v11;
	v6 =	vmul.f32 v6, v3  }
0x9f: {  	s26 =	sadd.s32 $0x100, s24;
	v5 =	vld.idx.msk [tilespmem:v5+s12+$0x0], $0xffff;
	[tilespmem:s24+$0xFFFFFFC0] =	vst v4;
	v28 =	vmul.f32 v7, v3  }
0xa0: {  	v35 =	vld [tilespmem:s26+$0x70];
	[tilespmem:s24+$0xFFFFFFD0] =	vst v6;
	v29 =	vmul.f32 v8, v3  }
0xa1: {  	v13 =	vbroadcast v13, $0x0;
	v37 =	vld [tilespmem:s26+$0xFFFFFF80];
	[tilespmem:s24+$0xFFFFFFE0] =	vst v28;
	v31 =	vmul.f32 v9, v1  }
0xa2: {  	v39 =	vld [tilespmem:s26+$0xFFFFFF90];
	[tilespmem:s24+$0xFFFFFFF0] =	vst v29;
	v33 =	vmul.f32 v15, v1  }
0xa3: {  	v41 =	vld [tilespmem:s26+$0xFFFFFFA0];
	v34 =	vmul.f32 v16, v1;
	[tilespmem:s24+$0x0] =	vst v31  }
0xa4: {  	v12 =	vor.u32 v0, v12;
	v43 =	vld [tilespmem:s26+$0xFFFFFFB0];
	v38 =	vmul.f32 v17, v2;
	[tilespmem:s24+$0x10] =	vst v33  }
0xa5: {  	v12 =	vbroadcast v12, $0x0;
	v44 =	vld [tilespmem:s26+$0xFFFFFFC0];
	v40 =	vmul.f32 v26, v2;
	[tilespmem:s24+$0x20] =	vst v34  }
0xa6: {  	v14 =	vmov s28;
	v46 =	vld [tilespmem:s26+$0xFFFFFFD0];
	v42 =	vmul.f32 v27, v2;
	[tilespmem:s25+$0x40] =	vst v38  }
0xa7: {  	v14 =	vand.u32 $0x7F, v14;
	v36 =	vmul.f32 v25, v1;
	v30 =	vld.idx.msk [tilespmem:v13+s12+$0x0], $0xffff;
	[tilespmem:s25+$0x50] =	vst v40  }
0xa8: {  	v47 =	vld [tilespmem:s26+$0xFFFFFFE0];
	v24 =	vor.u32 v0, v14;
	v45 =	vmul.f32 v37, v5;
	[tilespmem:s25+$0x60] =	vst v42  }
0xa9: {  	v49 =	vld [tilespmem:s26+$0xFFFFFFF0];
	v0 =	vbroadcast v24, $0x0;
	v9 =	vmul.f32 v39, v5;
	[tilespmem:s25+$0x30] =	vst v36  }
0xaa: {  	v50 =	vld [tilespmem:s26+$0x0];
	v48 =	vmul.f32 v41, v5;
	[tilespmem:s26+$0xFFFFFF80] =	vst v45  }
0xab: {  	v4 =	vmul.f32 v43, v5;
	v32 =	vld.idx.msk [tilespmem:v12+s12+$0x0], $0xffff;
	[tilespmem:s26+$0xFFFFFF90] =	vst v9  }
0xac: {  	v51 =	vld [tilespmem:s26+$0x10];
	[tilespmem:s26+$0xFFFFFFA0] =	vst v48;
	v1 =	vmul.f32 v44, v30  }
0xad: {  	v52 =	vld [tilespmem:s26+$0x20];
	[tilespmem:s26+$0xFFFFFFB0] =	vst v4;
	v3 =	vmul.f32 v46, v30  }
0xae: {  	v54 =	vld [tilespmem:s26+$0x30];
	v53 =	vmul.f32 v47, v30;
	[tilespmem:s26+$0xFFFFFFC0] =	vst v1  }
0xaf: {  	v0 =	vld.idx.msk [tilespmem:v0+s12+$0x0], $0xffff;
	v55 =	vmul.f32 v49, v30;
	[tilespmem:s26+$0xFFFFFFD0] =	vst v3  }
0xb0: {  	v56 =	vld [tilespmem:s26+$0x40];
	v57 =	vmul.f32 v50, v32;
	[tilespmem:s26+$0xFFFFFFE0] =	vst v53  }
0xb1: {  	v58 =	vld [tilespmem:s26+$0x50];
	v2 =	vmul.f32 v51, v32;
	[tilespmem:s26+$0xFFFFFFF0] =	vst v55  }
0xb2: {  	v59 =	vld [tilespmem:s26+$0x60];
	v60 =	vmul.f32 v52, v32;
	[tilespmem:s26+$0x0] =	vst v57  }
0xb3: {  	v61 =	vmul.f32 v54, v32;
	[tilespmem:s26+$0x10] =	vst v2  }
0xb4: {  	v8 =	vmul.f32 v35, v0;
	[tilespmem:s26+$0x20] =	vst v60  }
0xb5: {  	v62 =	vmul.f32 v56, v0;
	[tilespmem:s26+$0x30] =	vst v61  }
0xb6: {  	v63 =	vmul.f32 v58, v0;
	[tilespmem:s26+$0x70] =	vst v8  }
0xb7: {  	s22 =	sadd.s32 $0x1, s22;
	v0 =	vmul.f32 v59, v0;
	[tilespmem:s26+$0x40] =	vst v62  }
0xb8: {  	p0 =	sne.s32 s22, $0x4F;
	[tilespmem:s26+$0x50] =	vst v63  }
.Ltmp2:
0xb9: {  	s23 =	sadd.s32 $0x4F00, s23;
	[tilespmem:s26+$0x60] =	vst v0;
	(pc) =	sbr.rel @p0 .LBB2_2-.Ltmp2, $4  }
0xba: {  	[spmem:s3] =	stream.indirect.scatter.add.f32 [tilespmem:s17], [sflag:$0x3], $0x40, s23, s15, $0xb8;
	[tilespmem:$0x1CD00] =	vst v63  }
0xbb: {  	_ =	swait.ge [sflag:s10], $0x2000  }
0xbc: {  	[sflag:s10] =	ssyncset.done $0x0  }
0xbd: {  	[sflag:s10] =	ssyncadd.s32 $0xFFFFE000  }
0xbe: {  	s21 =	sadd.s32 $0x1, s21  }
0xbf: {  	p0 =	sne.s32 s21, s9  }
.Ltmp3:
0xc0: {  	[bflag:$0x0] =	sbarrier.arrive $0xFFFF;
	(pc) =	sbr.rel @p0 .LBB2_1-.Ltmp3, $4  }
0xc1: {  	[hbm:s20], [sflag:s13] =	dma.local [spmem:s14], $0x1400  }
0xc2: {  	_ =	swait.ge [sflag:s10], $0x1400  }
0xc3: {  	[sflag:s10] =	ssyncset.done $0x0  }
0xc4: {  	[sflag:s10] =	ssyncadd.s32 $0xFFFFEC00  }
0xc5: {  	_ =	sfence.sel $0x180000  }
0xc6: {  	[bflag:$0x0] =	sbarrier.arrive $0xFFFF  }
0xc7: {  	p0 =	sne.s32 s1, $0x0;
	_ =	strace $0x9000004A  }
0xc8: {  	s0 =	sadd.s32 @!p0 $0x100000, s0;
	[bflag:$0x2] =	sbarrier.arrive $0xFFFF  }
0xc9: {  	[sflag:s0] =	ssyncadd.tile.s32 @!p0 $0x1;
	_ =	shalt  }
.Lfunc_end2:
_tile_overlayer_lowered:
.L_overlay_start_2:
0xca: {  	(tag) =	ssettag $0x2  }
0xcb: {  	s0 =	rddreg [dreg:$0x0];
	s2 =	stileid.u32  }
0xcc: {  	s1 =	rddreg [dreg:$0x1];
	p0 =	sne.s32 s2, $0x0  }
0xcd: {  	s3 =	rddreg [dreg:$0x2];
	[bflag:$0x3] =	sbarrier.arrive $0xFFFF;
	s2 =	simm.s32 @!p0 $0x1C03  }
0xce: {  	[timem:s3], [sflag:s2] =	dma.local @!p0 [hbm:s0], s1  }
0xcf: {  	s0 =	simm.s32 @!p0 $0x3  }
0xd0: {  	_ =	swait.ge @!p0 [sflag:s0], s1  }
0xd1: {  	s1 =	ssub.s32 @!p0 $0x0, s1;
	[sflag:s0] =	ssyncset.done @!p0 $0x0  }
0xd2: {  	[sflag:s0] =	ssyncadd.s32 @!p0 s1  }
0xd3: {  	[bflag:$0x3] =	sbarrier.arrive $0xFFFF  }
0xd4: {  	_ =	shalt  }

// kernel: kernel.14.cloned.1.call-start
scs
__scs_entry_jumppad:
0x0: {  	(pc) =	sbr.rel $0x88, $3  }
0x1: {  	(tag) =	ssettag $0x0;
	lr =	simm.s32 $0x1  }
0x2: {  	[smem:$0x3F9A] =	sst lr;
	_ =	strace $0xD0000000  }
0x3: {  	_ = 	snop  }
0x4: {  	_ = 	snop  }
0x5: {  	_ = 	snop  }
0x6: {  	_ = 	snop  }
0x7: {  	_ = 	snop  }
__scs_overlays_trampoline_lowered:
0x8: {  	[smem:$0x3FA9] =	sst s0  }
0x9: {  	[smem:$0x3FAA] =	sst s1  }
0xa: {  	[smem:$0x3FAB] =	sst s2  }
0xb: {  	[smem:$0x3FAC] =	sst s3  }
0xc: {  	[smem:$0x3FAD] =	sst s4  }
0xd: {  	[smem:$0x3FAE] =	sst s5  }
0xe: {  	[smem:$0x3FAF] =	sst s6  }
0xf: {  	[smem:$0x3FB0] =	sst s7  }
0x10: {  	[smem:$0x3FB1] =	sst s8  }
0x11: {  	[smem:$0x3FB2] =	sst s9;
	s0 =	simm.s32 @!p0 $0x0  }
0x12: {  	s1 =	sld [smem:$0x3F98];
	s0 =	simm.s32 @p0 $0x1  }
0x13: {  	[smem:$0x3FB3] =	sst s0;
	s0 =	simm.s32 @!p1 $0x0  }
0x14: {  	s2 =	sld [smem:$0x3F97];
	s0 =	simm.s32 @p1 $0x1  }
0x15: {  	[smem:$0x3FB4] =	sst s0;
	s0 =	simm.s32 @!p2 $0x0  }
0x16: {  	s3 =	sld [smem:$0x3FDB];
	s0 =	simm.s32 @p2 $0x1  }
0x17: {  	s4 =	simm.s32 $0x1BF5;
	[smem:$0x3FB6] =	sst s0  }
0x18: {  	s0 =	sld [smem:$0x3F99];
	_ =	swait.ge [sflag:s4], $0x0  }
0x19: {  	s7 =	sld [smem:$0x3F9A]  }
0x1a: {  	s8 =	sadd.s32 $0xFFFFE003, lr  }
0x1b: {  	s9 =	sadd.s32 $0xFFFFFEF7, lr;
	s5 =	simm.s32 $0xFFFFFFFF;
	p2 =	slt.u32 s8, $0xFFFFF086  }
0x1c: {  	p1 =	slt.u32 s9, $0xF7A;
	s5 =	simm.s32 @!p2 $0x0  }
0x1d: {  	s5 =	simm.s32 @p1 $0x1;
	p0 =	seq.s32 s7, s2  }
0x1e: {  	s7 =	smul.u32 @!p0 $0xF7A, s2;
	p2 =	seq.s32 @!p0 s5, $0x0  }
0x1f: {  	s9 =	smul.u32 $0xF7A, s1;
	s8 =	simm.s32 @!p0 $0x1BF5;
	p2 =	por !p2, p0  }
0x20: {  	[sflag:s8] =	ssyncset.s32 @!p0 $0xFFFFF086;
	s6 =	sadd.s32 @!p0 s3, s7;
	s7 =	simm.s32 @!p0 $0x108  }
0x21: {  	s3 =	sadd.s32 s3, s9;
	s6 =	sadd.s32 @!p0 $0x88, s6;
	s7 =	simm.s32 @p2 $0x1082  }
0x22: {  	[simem:s7], [sflag:s8] =	dma.local @!p0 [hbm:s6], $0xF7A  }
0x23: {  	s9 =	sor.u32 $0xD0000000, s2;
	s6 =	simm.s32 $0x108;
	_ =	swait.ge @!p0 [sflag:s8], $0x0  }
0x24: {  	s3 =	sadd.s32 $0x88, s3;
	s6 =	simm.s32 @!p1 $0x1082;
	[sflag:s4] =	ssyncset.s32 $0xFFFFF086  }
0x25: {  	[simem:s6], [sflag:s4] =	dma.local [hbm:s3], $0xF7A  }
0x26: {  	[smem:$0x3F9A] =	sst s1;
	(tag) =	ssettag s2;
	_ =	strace s9  }
0x27: {  	s1 =	sld [smem:$0x3FAA]  }
0x28: {  	s2 =	sld [smem:$0x3FAB]  }
0x29: {  	s4 =	sld [smem:$0x3FAD]  }
0x2a: {  	p0 =	seq.s32 s5, $0x0;
	s5 =	sld [smem:$0x3FAE]  }
0x2b: {  	s6 =	sld [smem:$0x3FAF]  }
0x2c: {  	s7 =	sld [smem:$0x3FB0]  }
0x2d: {  	s3 =	simm.s32 $0x108;
	s8 =	sld [smem:$0x3FB1]  }
0x2e: {  	s3 =	simm.s32 @!p0 $0x1082;
	s9 =	sld [smem:$0x3FB2]  }
0x2f: {  	lr =	sadd.s32 s0, s3;
	s0 =	sld [smem:$0x3FA9]  }
0x30: {  	s3 =	sld [smem:$0x3FAC]  }
0x31: {  	[smem:$0x3FB5] =	sst s10  }
0x32: {  	s10 =	sld [smem:$0x3FB3];
	_ =	sdelay $0x3  }
0x33: {  	p0 =	seq.s32 s10, $0x1;
	s10 =	sld [smem:$0x3FB5];
	_ =	sdelay $0x3  }
0x34: {  	[smem:$0x3FB5] =	sst s10  }
0x35: {  	s10 =	sld [smem:$0x3FB4];
	_ =	sdelay $0x3  }
0x36: {  	p1 =	seq.s32 s10, $0x1;
	s10 =	sld [smem:$0x3FB5];
	_ =	sdelay $0x3  }
0x37: {  	[smem:$0x3FB5] =	sst s10  }
0x38: {  	s10 =	sld [smem:$0x3FB6]  }
0x39: {  	_ = 	snop;
	(pc) =	sbr.ind lr, $3  }
0x3a: {  	_ = 	snop  }
0x3b: {  	_ = 	snop  }
0x3c: {  	p2 =	seq.s32 s10, $0x1;
	s10 =	sld [smem:$0x3FB5]  }
0x3d: {  	_ =	shalt  }
0x3e: {  	_ =	shalt  }
0x3f: {  	_ =	shalt  }
0x40: {  	_ =	shalt  }
0x41: {  	_ =	shalt  }
0x42: {  	_ =	shalt  }
0x43: {  	_ =	shalt  }
0x44: {  	_ =	shalt  }
0x45: {  	_ =	shalt  }
0x46: {  	_ =	shalt  }
0x47: {  	_ =	shalt  }
0x48: {  	_ =	shalt  }
0x49: {  	_ =	shalt  }
0x4a: {  	_ =	shalt  }
0x4b: {  	_ =	shalt  }
0x4c: {  	_ =	shalt  }
0x4d: {  	_ =	shalt  }
0x4e: {  	_ =	shalt  }
0x4f: {  	_ =	shalt  }
0x50: {  	_ =	shalt  }
0x51: {  	_ =	shalt  }
0x52: {  	_ =	shalt  }
0x53: {  	_ =	shalt  }
0x54: {  	_ =	shalt  }
0x55: {  	_ =	shalt  }
0x56: {  	_ =	shalt  }
0x57: {  	_ =	shalt  }
0x58: {  	_ =	shalt  }
0x59: {  	_ =	shalt  }
0x5a: {  	_ =	shalt  }
0x5b: {  	_ =	shalt  }
0x5c: {  	_ =	shalt  }
0x5d: {  	_ =	shalt  }
0x5e: {  	_ =	shalt  }
0x5f: {  	_ =	shalt  }
0x60: {  	_ =	shalt  }
0x61: {  	_ =	shalt  }
0x62: {  	_ =	shalt  }
0x63: {  	_ =	shalt  }
0x64: {  	_ =	shalt  }
0x65: {  	_ =	shalt  }
0x66: {  	_ =	shalt  }
0x67: {  	_ =	shalt  }
0x68: {  	_ =	shalt  }
0x69: {  	_ =	shalt  }
0x6a: {  	_ =	shalt  }
0x6b: {  	_ =	shalt  }
0x6c: {  	_ =	shalt  }
0x6d: {  	_ =	shalt  }
0x6e: {  	_ =	shalt  }
0x6f: {  	_ =	shalt  }
0x70: {  	_ =	shalt  }
0x71: {  	_ =	shalt  }
0x72: {  	_ =	shalt  }
0x73: {  	_ =	shalt  }
0x74: {  	_ =	shalt  }
0x75: {  	_ =	shalt  }
0x76: {  	_ =	shalt  }
0x77: {  	_ =	shalt  }
0x78: {  	_ =	shalt  }
0x79: {  	_ =	shalt  }
0x7a: {  	_ =	shalt  }
0x7b: {  	_ =	shalt  }
0x7c: {  	_ =	shalt  }
0x7d: {  	_ =	shalt  }
0x7e: {  	_ =	shalt  }
0x7f: {  	_ =	shalt  }
0x80: {  	_ =	shalt  }
0x81: {  	_ =	shalt  }
0x82: {  	_ =	shalt  }
0x83: {  	_ =	shalt  }
0x84: {  	_ =	shalt  }
0x85: {  	_ =	shalt  }
0x86: {  	_ =	shalt  }
0x87: {  	_ =	shalt  }
.Lfunc_end0:
.L_simem_size_0:
called_computation.2_lowered:
.L_overlay_start_0:
0x88: {  	s2 =	sld [smem:$0x3FD9]  }
0x89: {  	s3 =	sld [smem:$0x3FFE];
	_ =	sdelay $0x1  }
0x8a: {  	s1 =	srdreg.scid  }
0x8b: {  	s0 =	sand.u32 $0x1, s1  }
0x8c: {  	s14 =	sshll.u32 s0, $0xA;
	s2 =	sadd.s32 s3, s2  }
0x8d: {  	s2 =	sadd.s32 s2, s14  }
0x8e: {  	[smem:$0x3FC1] =	sst s2  }
0x8f: {  	_ = 	snop  }
0x90: {  	s2 =	sld [smem:$0x3FD0];
	_ =	sdelay $0x2  }
0x91: {  	s15 =	simm.s32 $0xA;
	s4 =	simm.s32 $0x10  }
0x92: {  	[smem:s4], [sflag:s15] =	dma.local [hbm:s2], $0x1  }
0x93: {  	_ =	swait.eq [sflag:s15], $0x1  }
0x94: {  	[sflag:s15] =	ssyncset.done $0x0  }
0x95: {  	[sflag:s15] =	ssyncadd.s32 $0xFFFFFFFF  }
0x96: {  	s16 =	sld [smem:$0x10];
	(tm) =	ssettm $0x1  }
0x97: {  	s17 =	sld [smem:$0x3FFB];
	_ =	sdelay $0x3  }
0x98: {  	_ =	strace s17  }
0x99: {  	s3 =	sld [smem:$0x3FFC];
	_ =	sdelay $0x3  }
0x9a: {  	_ =	strace s3  }
0x9b: {  	s3 =	sld [smem:$0x3FFD];
	_ =	sdelay $0x3  }
0x9c: {  	_ =	strace s3  }
0x9d: {  	_ =	strace $0x8FFFFFFF  }
0x9e: {  	s18 =	sld [smem:$0x3FDB];
	_ =	sdelay $0x1  }
0x9f: {  	s19 =	simm.s32 $_scs_section_size  }
0xa0: {  	s5 =	simm.s32 $_size__tile_overlayer_lowered;
	s6 =	simm.s32 $_tile_overlayer_lowered  }
0xa1: {  	s22 =	simm.s32 $0x1BFF;
	s21 =	sshll.u32 s6, $0x1;
	s3 =	sadd.s32 s19, s18  }
0xa2: {  	s7 =	simm.s32 $0x0;
	s20 =	sshll.u32 s5, $0x1;
	s5 =	sadd.s32 s21, s3  }
0xa3: {  	[timem:s7], [sflag:s22] =	dma.local [hbm:s5], s20  }
0xa4: {  	_ =	swait.ge [sflag:s22], s20  }
0xa5: {  	s4 =	ssub.s32 $0x0, s20;
	[sflag:s22] =	ssyncset.done $0x0  }
0xa6: {  	[sflag:s22] =	ssyncadd.s32 s4;
	_ =	sdelay $0x1  }
0xa7: {  	s23 =	simm.s32 $0x1B8B  }
0xa8: {  	_ =	swait.ge [sflag:s23], $0x1  }
0xa9: {  	[sflag:s23] =	ssyncset.done $0x0  }
0xaa: {  	s25 =	simm.s32 $0x1B8E;
	s24 =	sld [smem:$0x3FFE];
	[sflag:s23] =	ssyncadd.s32 $0xFFFFFFFF  }
0xab: {  	s26 =	simm.s32 $execute0_lowered;
	[smem:$0x3FD2] =	sst s25  }
0xac: {  	s5 =	sshll.u32 s26, $0x1;
	_ =	strace $0x8000004C;
	[dreg:$0x1] =	wrdreg $0xFFFFFFFF  }
0xad: {  	s28 =	simm.s32 $_size_execute0_lowered;
	s3 =	sadd.s32 s3, s5;
	[dreg:$0x0] =	wrdreg $0x0  }
0xae: {  	s5 =	sshll.u32 s28, $0x1;
	[dreg:$0x2] =	wrdreg s3  }
0xaf: {  	[dreg:$0x3] =	wrdreg s5  }
0xb0: {  	[dreg:$0x4] =	wrdreg $0xC0  }
0xb1: {  	_ =	task [dreg:s7], $0x5FFFF  }
0xb2: {  	[dreg:$0x1] =	wrdreg $0xFFFFFFFF  }
0xb3: {  	[dreg:$0x0] =	wrdreg $0x60  }
0xb4: {  	[dreg:$0x2] =	wrdreg s24  }
0xb5: {  	[dreg:$0x3] =	wrdreg s16  }
0xb6: {  	[dreg:$0x4] =	wrdreg $0x9  }
0xb7: {  	_ =	task.clear_ibuf [dreg:s7], $0x5FFFF;
	_ =	strace $0x9000004C  }
0xb8: {  	s29 =	simm.s32 $0x9;
	_ =	strace $0x8000004E  }
0xb9: {  	_ =	swait.ge [sflag:s29], $0x1  }
0xba: {  	[sflag:s29] =	ssyncadd.s32 $0xFFFFFFFF  }
0xbb: {  	_ =	strace $0x9000004E  }
0xbc: {  	_ =	sfence  }
0xbd: {  	s30 =	sld [smem:$0x0];
	_ =	sdelay $0x2  }
0xbe: {  	s31 =	sshll.u32 s1, $0xD;
	s1 =	sshrl.u32 s1, $0x2  }
0xbf: {  	s3 =	sand.u32 $0x4000, s31;
	s1 =	sadd.s32 s1, s30  }
0xc0: {  	s0 =	sor.u32 s3, s0;
	s1 =	sshll.u32 s1, $0x11  }
0xc1: {  	s0 =	sor.u32 s1, s0  }
0xc2: {  	s0 =	sadd.s32 $0x8F2B, s0  }
0xc3: {  	[sflag:s0] =	ssyncadd.remote.s32 $0x1  }
0xc4: {  	_ =	sfence.sel $0xFFFF  }
0xc5: {  	[dreg:$0x0] =	wrdreg $0xFFFFFFFF;
	(pc) =	sbr.abs _section_cstart, $3  }
0xc6: {  	[dreg:$0x1] =	wrdreg $0xFFFFFFFF  }
0xc7: {  	_ =	task.clear_ibuf [dreg:s7], $0x2FFFF;
	_ =	strace $0x9FFFFFFF  }
0xc8: {  	(tm) =	ssettm $0x7FFFFFFF  }
0xc9: {  	_ =	shalt  }
tec
execute0_lowered:
.L_overlay_start_1:
0x0: {  	(tag) =	ssettag $0x1  }
0x1: {  	s1 =	srdreg.scid  }
0x2: {  	s0 =	stileid.u32;
	s24 =	sand.u32 $0x1, s1  }
0x3: {  	s5 =	rddreg [dreg:$0x0];
	s2 =	sshll.u32 s0, $0xA;
	s1 =	sshll.u32 s24, $0xE  }
0x4: {  	s10 =	rddreg [dreg:$0x1];
	s11 =	sor.u32 s2, s1  }
0x5: {  	s1 =	rddreg [dreg:$0x2];
	s2 =	simm.s32 $0x0;
	s3 =	sshrl.u32 s11, $0x3  }
0x6: {  	[smem:$0x7FF] =	sst s2;
	s3 =	sadd.s32 s3, s5  }
0x7: {  	_ =	strace $0x8000004D;
	s4 =	sadd.s32 $0x29E00, s3;
	s3 =	simm.s32 $0x3  }
0x8: {  	[tilespmem:s2], [sflag:$0x3] =	stream.linear.gather [hbm4b:s4+s2], $0x400, $0x38;
	[tilespmem:$0x8400] =	vst v63  }
0x9: {  	_ =	swait.ge [sflag:s3], $0x400  }
0xa: {  	s6 =	simm.s32 $0x80;
	[sflag:s3] =	ssyncset.done $0x0  }
0xb: {  	s7 =	simm.s32 $0x400;
	s5 =	sadd.s32 $0x1E00, s5;
	[sflag:s3] =	ssyncadd.s32 $0xFFFFFC00  }
0xc: {  	[tilespmem:s7], [sflag:$0x1] =	stream.indirect.gather [hbm4b:s5+s6], $0x80, s2, s6, $0xb8;
	[tilespmem:$0x8400] =	vst v63  }
0xd: {  	s8 =	simm.s32 $0x4400;
	s9 =	simm.s32 $0x1  }
0xe: {  	[tilespmem:s8], [sflag:$0x2] =	stream.indirect.gather [hbm4b:s5+s6], $0x80, s6, s6, $0xb8;
	[tilespmem:$0x8400] =	vst v63  }
0xf: {  	_ =	swait.ge [sflag:s9], $0x4000  }
0x10: {  	s11 =	sshll.u32 s11, $0x4;
	[sflag:s9] =	ssyncset.done $0x0  }
0x11: {  	s10 =	sadd.s32 s10, s11;
	[sflag:s9] =	ssyncadd.s32 $0xFFFFC000  }
0x12: {  	[hbm4b:s10+s2] =	stream.linear.scatter [tilespmem:s7], [sflag:$0x3], $0x4000, $0x38;
	[tilespmem:$0x8400] =	vst v63  }
0x13: {  	_ =	swait.ge [sflag:s3], $0x4000  }
0x14: {  	[sflag:s3] =	ssyncset.done $0x0  }
0x15: {  	s12 =	simm.s32 $0x2;
	s11 =	simm.s32 $0x100;
	[sflag:s3] =	ssyncadd.s32 $0xFFFFC000  }
0x16: {  	[tilespmem:s7], [sflag:$0x1] =	stream.indirect.gather [hbm4b:s5+s6], $0x80, s11, s6, $0xb8;
	[tilespmem:$0x8400] =	vst v63  }
0x17: {  	_ =	swait.ge [sflag:s12], $0x4000  }
0x18: {  	[sflag:s12] =	ssyncset.done $0x0  }
0x19: {  	s13 =	sadd.s32 $0x800, s10;
	[sflag:s12] =	ssyncadd.s32 $0xFFFFC000  }
0x1a: {  	[hbm4b:s13+s2] =	stream.linear.scatter [tilespmem:s8], [sflag:$0x3], $0x4000, $0x38;
	[tilespmem:$0x8400] =	vst v63  }
0x1b: {  	_ =	swait.ge [sflag:s3], $0x4000  }
0x1c: {  	[sflag:s3] =	ssyncset.done $0x0  }
0x1d: {  	s14 =	simm.s32 $0x180;
	[sflag:s3] =	ssyncadd.s32 $0xFFFFC000  }
0x1e: {  	[tilespmem:s8], [sflag:$0x2] =	stream.indirect.gather [hbm4b:s5+s6], $0x80, s14, s6, $0xb8;
	[tilespmem:$0x8400] =	vst v63  }
0x1f: {  	_ =	swait.ge [sflag:s9], $0x4000  }
0x20: {  	[sflag:s9] =	ssyncset.done $0x0  }
0x21: {  	s15 =	sadd.s32 $0x1000, s10;
	[sflag:s9] =	ssyncadd.s32 $0xFFFFC000  }
0x22: {  	[hbm4b:s15+s2] =	stream.linear.scatter [tilespmem:s7], [sflag:$0x3], $0x4000, $0x38;
	[tilespmem:$0x8400] =	vst v63  }
0x23: {  	_ =	swait.ge [sflag:s3], $0x4000  }
0x24: {  	[sflag:s3] =	ssyncset.done $0x0  }
0x25: {  	s16 =	simm.s32 $0x200;
	[sflag:s3] =	ssyncadd.s32 $0xFFFFC000  }
0x26: {  	[tilespmem:s7], [sflag:$0x1] =	stream.indirect.gather [hbm4b:s5+s6], $0x80, s16, s6, $0xb8;
	[tilespmem:$0x8400] =	vst v63  }
0x27: {  	_ =	swait.ge [sflag:s12], $0x4000  }
0x28: {  	[sflag:s12] =	ssyncset.done $0x0  }
0x29: {  	s17 =	sadd.s32 $0x1800, s10;
	[sflag:s12] =	ssyncadd.s32 $0xFFFFC000  }
0x2a: {  	[hbm4b:s17+s2] =	stream.linear.scatter [tilespmem:s8], [sflag:$0x3], $0x4000, $0x38;
	[tilespmem:$0x8400] =	vst v63  }
0x2b: {  	_ =	swait.ge [sflag:s3], $0x4000  }
0x2c: {  	[sflag:s3] =	ssyncset.done $0x0  }
0x2d: {  	s18 =	simm.s32 $0x280;
	[sflag:s3] =	ssyncadd.s32 $0xFFFFC000  }
0x2e: {  	[tilespmem:s8], [sflag:$0x2] =	stream.indirect.gather [hbm4b:s5+s6], $0x80, s18, s6, $0xb8;
	[tilespmem:$0x8400] =	vst v63  }
0x2f: {  	_ =	swait.ge [sflag:s9], $0x4000  }
0x30: {  	[sflag:s9] =	ssyncset.done $0x0  }
0x31: {  	s19 =	sadd.s32 $0x2000, s10;
	[sflag:s9] =	ssyncadd.s32 $0xFFFFC000  }
0x32: {  	[hbm4b:s19+s2] =	stream.linear.scatter [tilespmem:s7], [sflag:$0x3], $0x4000, $0x38;
	[tilespmem:$0x8400] =	vst v63  }
0x33: {  	_ =	swait.ge [sflag:s3], $0x4000  }
0x34: {  	[sflag:s3] =	ssyncset.done $0x0  }
0x35: {  	s20 =	simm.s32 $0x300;
	[sflag:s3] =	ssyncadd.s32 $0xFFFFC000  }
0x36: {  	[tilespmem:s7], [sflag:$0x1] =	stream.indirect.gather [hbm4b:s5+s6], $0x80, s20, s6, $0xb8;
	[tilespmem:$0x8400] =	vst v63  }
0x37: {  	_ =	swait.ge [sflag:s12], $0x4000  }
0x38: {  	[sflag:s12] =	ssyncset.done $0x0  }
0x39: {  	s21 =	sadd.s32 $0x2800, s10;
	[sflag:s12] =	ssyncadd.s32 $0xFFFFC000  }
0x3a: {  	[hbm4b:s21+s2] =	stream.linear.scatter [tilespmem:s8], [sflag:$0x3], $0x4000, $0x38;
	[tilespmem:$0x8400] =	vst v63  }
0x3b: {  	_ =	swait.ge [sflag:s3], $0x4000  }
0x3c: {  	[sflag:s3] =	ssyncset.done $0x0  }
0x3d: {  	s22 =	simm.s32 $0x380;
	[sflag:s3] =	ssyncadd.s32 $0xFFFFC000  }
0x3e: {  	[tilespmem:s8], [sflag:$0x2] =	stream.indirect.gather [hbm4b:s5+s6], $0x80, s22, s6, $0xb8;
	[tilespmem:$0x8400] =	vst v63  }
0x3f: {  	_ =	swait.ge [sflag:s9], $0x4000  }
0x40: {  	[sflag:s9] =	ssyncset.done $0x0  }
0x41: {  	s24 =	ssub.s32 $0x2, s24;
	s23 =	sadd.s32 $0x3000, s10;
	[sflag:s9] =	ssyncadd.s32 $0xFFFFC000  }
0x42: {  	[hbm4b:s23+s2] =	stream.linear.scatter [tilespmem:s7], [sflag:$0x3], $0x4000, $0x38;
	[tilespmem:$0x8400] =	vst v63  }
0x43: {  	s25 =	sshrl.u32 s24, $0x1;
	_ =	swait.ge [sflag:s3], $0x4000  }
0x44: {  	s24 =	ssub.s32 s24, s25;
	[sflag:s3] =	ssyncset.done $0x0  }
0x45: {  	s25 =	smax.u32 s24, $0x1;
	[sflag:s3] =	ssyncadd.s32 $0xFFFFC000  }
0x46: {  	p0 =	sne.s32 s25, $0x1;
	_ =	swait.ge [sflag:s12], $0x4000  }
.Ltmp0:
0x47: {  	[sflag:s12] =	ssyncset.done $0x0;
	(pc) =	sbr.rel @!p0 .LBB2_2-.Ltmp0, $4  }
0x48: {  	s24 =	sadd.s32 $0x3800, s10;
	[sflag:s12] =	ssyncadd.s32 $0xFFFFC000  }
0x49: {  	[hbm4b:s24+s2] =	stream.linear.scatter [tilespmem:s8], [sflag:$0x3], $0x4000, $0x38;
	[tilespmem:$0x8400] =	vst v63  }
0x4a: {  	_ =	swait.ge [sflag:s3], $0x4000  }
0x4b: {  	s25 =	sadd.s32 $0xFFFFFFFF, s25;
	[sflag:s3] =	ssyncset.done $0x0  }
.LBB2_1:
0x4c: {  	p0 =	sne.s32 s25, $0x1;
	s25 =	sadd.s32 $0xFFFFFFFF, s25;
	[sflag:s3] =	ssyncadd.s32 $0xFFFFC000  }
0x4d: {  	[tilespmem:s2], [sflag:$0x3] =	stream.linear.gather [hbm4b:s4+s2], $0x400, $0x38;
	[tilespmem:$0x8400] =	vst v63  }
0x4e: {  	_ =	swait.ge [sflag:s3], $0x400  }
0x4f: {  	[sflag:s3] =	ssyncset.done $0x0  }
0x50: {  	[sflag:s3] =	ssyncadd.s32 $0xFFFFFC00  }
0x51: {  	[tilespmem:s7], [sflag:$0x1] =	stream.indirect.gather [hbm4b:s5+s6], $0x80, s2, s6, $0xb8;
	[tilespmem:$0x8400] =	vst v63  }
0x52: {  	_ = 	snop  }
0x53: {  	[tilespmem:s8], [sflag:$0x2] =	stream.indirect.gather [hbm4b:s5+s6], $0x80, s6, s6, $0xb8;
	[tilespmem:$0x8400] =	vst v63  }
0x54: {  	_ =	swait.ge [sflag:s9], $0x4000  }
0x55: {  	[sflag:s9] =	ssyncset.done $0x0  }
0x56: {  	[sflag:s9] =	ssyncadd.s32 $0xFFFFC000  }
0x57: {  	[hbm4b:s10+s2] =	stream.linear.scatter [tilespmem:s7], [sflag:$0x3], $0x4000, $0x38;
	[tilespmem:$0x8400] =	vst v63  }
0x58: {  	_ =	swait.ge [sflag:s3], $0x4000  }
0x59: {  	[sflag:s3] =	ssyncset.done $0x0  }
0x5a: {  	[sflag:s3] =	ssyncadd.s32 $0xFFFFC000  }
0x5b: {  	[tilespmem:s7], [sflag:$0x1] =	stream.indirect.gather [hbm4b:s5+s6], $0x80, s11, s6, $0xb8;
	[tilespmem:$0x8400] =	vst v63  }
0x5c: {  	_ =	swait.ge [sflag:s12], $0x4000  }
0x5d: {  	[sflag:s12] =	ssyncset.done $0x0  }
0x5e: {  	[sflag:s12] =	ssyncadd.s32 $0xFFFFC000  }
0x5f: {  	[hbm4b:s13+s2] =	stream.linear.scatter [tilespmem:s8], [sflag:$0x3], $0x4000, $0x38;
	[tilespmem:$0x8400] =	vst v63  }
0x60: {  	_ =	swait.ge [sflag:s3], $0x4000  }
0x61: {  	[sflag:s3] =	ssyncset.done $0x0  }
0x62: {  	[sflag:s3] =	ssyncadd.s32 $0xFFFFC000  }
0x63: {  	[tilespmem:s8], [sflag:$0x2] =	stream.indirect.gather [hbm4b:s5+s6], $0x80, s14, s6, $0xb8;
	[tilespmem:$0x8400] =	vst v63  }
0x64: {  	_ =	swait.ge [sflag:s9], $0x4000  }
0x65: {  	[sflag:s9] =	ssyncset.done $0x0  }
0x66: {  	[sflag:s9] =	ssyncadd.s32 $0xFFFFC000  }
0x67: {  	[hbm4b:s15+s2] =	stream.linear.scatter [tilespmem:s7], [sflag:$0x3], $0x4000, $0x38;
	[tilespmem:$0x8400] =	vst v63  }
0x68: {  	_ =	swait.ge [sflag:s3], $0x4000  }
0x69: {  	[sflag:s3] =	ssyncset.done $0x0  }
0x6a: {  	[sflag:s3] =	ssyncadd.s32 $0xFFFFC000  }
0x6b: {  	[tilespmem:s7], [sflag:$0x1] =	stream.indirect.gather [hbm4b:s5+s6], $0x80, s16, s6, $0xb8;
	[tilespmem:$0x8400] =	vst v63  }
0x6c: {  	_ =	swait.ge [sflag:s12], $0x4000  }
0x6d: {  	[sflag:s12] =	ssyncset.done $0x0  }
0x6e: {  	[sflag:s12] =	ssyncadd.s32 $0xFFFFC000  }
0x6f: {  	[hbm4b:s17+s2] =	stream.linear.scatter [tilespmem:s8], [sflag:$0x3], $0x4000, $0x38;
	[tilespmem:$0x8400] =	vst v63  }
0x70: {  	_ =	swait.ge [sflag:s3], $0x4000  }
0x71: {  	[sflag:s3] =	ssyncset.done $0x0  }
0x72: {  	[sflag:s3] =	ssyncadd.s32 $0xFFFFC000  }
0x73: {  	[tilespmem:s8], [sflag:$0x2] =	stream.indirect.gather [hbm4b:s5+s6], $0x80, s18, s6, $0xb8;
	[tilespmem:$0x8400] =	vst v63  }
0x74: {  	_ =	swait.ge [sflag:s9], $0x4000  }
0x75: {  	[sflag:s9] =	ssyncset.done $0x0  }
0x76: {  	[sflag:s9] =	ssyncadd.s32 $0xFFFFC000  }
0x77: {  	[hbm4b:s19+s2] =	stream.linear.scatter [tilespmem:s7], [sflag:$0x3], $0x4000, $0x38;
	[tilespmem:$0x8400] =	vst v63  }
0x78: {  	_ =	swait.ge [sflag:s3], $0x4000  }
0x79: {  	[sflag:s3] =	ssyncset.done $0x0  }
0x7a: {  	[sflag:s3] =	ssyncadd.s32 $0xFFFFC000  }
0x7b: {  	[tilespmem:s7], [sflag:$0x1] =	stream.indirect.gather [hbm4b:s5+s6], $0x80, s20, s6, $0xb8;
	[tilespmem:$0x8400] =	vst v63  }
0x7c: {  	_ =	swait.ge [sflag:s12], $0x4000  }
0x7d: {  	[sflag:s12] =	ssyncset.done $0x0  }
0x7e: {  	[sflag:s12] =	ssyncadd.s32 $0xFFFFC000  }
0x7f: {  	[hbm4b:s21+s2] =	stream.linear.scatter [tilespmem:s8], [sflag:$0x3], $0x4000, $0x38;
	[tilespmem:$0x8400] =	vst v63  }
0x80: {  	_ =	swait.ge [sflag:s3], $0x4000  }
0x81: {  	[sflag:s3] =	ssyncset.done $0x0  }
0x82: {  	[sflag:s3] =	ssyncadd.s32 $0xFFFFC000  }
0x83: {  	[tilespmem:s8], [sflag:$0x2] =	stream.indirect.gather [hbm4b:s5+s6], $0x80, s22, s6, $0xb8;
	[tilespmem:$0x8400] =	vst v63  }
0x84: {  	_ =	swait.ge [sflag:s9], $0x4000  }
0x85: {  	[sflag:s9] =	ssyncset.done $0x0  }
0x86: {  	[sflag:s9] =	ssyncadd.s32 $0xFFFFC000  }
0x87: {  	[hbm4b:s23+s2] =	stream.linear.scatter [tilespmem:s7], [sflag:$0x3], $0x4000, $0x38;
	[tilespmem:$0x8400] =	vst v63  }
0x88: {  	_ =	swait.ge [sflag:s3], $0x4000  }
0x89: {  	[sflag:s3] =	ssyncset.done $0x0  }
0x8a: {  	[sflag:s3] =	ssyncadd.s32 $0xFFFFC000  }
0x8b: {  	_ =	swait.ge [sflag:s12], $0x4000  }
.Ltmp1:
0x8c: {  	[sflag:s12] =	ssyncset.done $0x0;
	(pc) =	sbr.rel @p0 .LBB2_1-.Ltmp1, $4  }
0x8d: {  	[sflag:s12] =	ssyncadd.s32 $0xFFFFC000  }
0x8e: {  	[hbm4b:s24+s2] =	stream.linear.scatter [tilespmem:s8], [sflag:$0x3], $0x4000, $0x38;
	[tilespmem:$0x8400] =	vst v63  }
0x8f: {  	_ =	swait.ge [sflag:s3], $0x4000  }
0x90: {  	[sflag:s3] =	ssyncset.done $0x0  }
.LBB2_2:
0x91: {  	[sflag:s3] =	ssyncadd.s32 $0xFFFFC000  }
0x92: {  	_ =	sfence.sel $0x180000  }
0x93: {  	[bflag:$0x0] =	sbarrier.arrive $0xFFFF  }
0x94: {  	p0 =	sne.s32 s0, $0x0;
	_ =	strace $0x9000004D  }
0x95: {  	s0 =	sadd.s32 @!p0 $0x100000, s1;
	[bflag:$0x2] =	sbarrier.arrive $0xFFFF  }
0x96: {  	[sflag:s0] =	ssyncadd.tile.s32 @!p0 $0x1;
	_ =	shalt  }
.Lfunc_end2:
_tile_overlayer_lowered:
.L_overlay_start_2:
0x97: {  	(tag) =	ssettag $0x2  }
0x98: {  	s0 =	rddreg [dreg:$0x0];
	s2 =	stileid.u32  }
0x99: {  	s1 =	rddreg [dreg:$0x1];
	p0 =	sne.s32 s2, $0x0  }
0x9a: {  	s3 =	rddreg [dreg:$0x2];
	[bflag:$0x3] =	sbarrier.arrive $0xFFFF;
	s2 =	simm.s32 @!p0 $0x1C03  }
0x9b: {  	[timem:s3], [sflag:s2] =	dma.local @!p0 [hbm:s0], s1  }
0x9c: {  	s0 =	simm.s32 @!p0 $0x3  }
0x9d: {  	_ =	swait.ge @!p0 [sflag:s0], s1  }
0x9e: {  	s1 =	ssub.s32 @!p0 $0x0, s1;
	[sflag:s0] =	ssyncset.done @!p0 $0x0  }
0x9f: {  	[sflag:s0] =	ssyncadd.s32 @!p0 s1  }
0xa0: {  	[bflag:$0x3] =	sbarrier.arrive $0xFFFF  }
0xa1: {  	_ =	shalt  }

// kernel: kernel.8.cloned.1.call-start
scs
__scs_entry_jumppad:
0x0: {  	(pc) =	sbr.rel $0x88, $3  }
0x1: {  	(tag) =	ssettag $0x0;
	lr =	simm.s32 $0x1  }
0x2: {  	[smem:$0x3F9A] =	sst lr;
	_ =	strace $0xD0000000  }
0x3: {  	_ = 	snop  }
0x4: {  	_ = 	snop  }
0x5: {  	_ = 	snop  }
0x6: {  	_ = 	snop  }
0x7: {  	_ = 	snop  }
__scs_overlays_trampoline_lowered:
0x8: {  	[smem:$0x3FA9] =	sst s0  }
0x9: {  	[smem:$0x3FAA] =	sst s1  }
0xa: {  	[smem:$0x3FAB] =	sst s2  }
0xb: {  	[smem:$0x3FAC] =	sst s3  }
0xc: {  	[smem:$0x3FAD] =	sst s4  }
0xd: {  	[smem:$0x3FAE] =	sst s5  }
0xe: {  	[smem:$0x3FAF] =	sst s6  }
0xf: {  	[smem:$0x3FB0] =	sst s7  }
0x10: {  	[smem:$0x3FB1] =	sst s8  }
0x11: {  	[smem:$0x3FB2] =	sst s9;
	s0 =	simm.s32 @!p0 $0x0  }
0x12: {  	s1 =	sld [smem:$0x3F98];
	s0 =	simm.s32 @p0 $0x1  }
0x13: {  	[smem:$0x3FB3] =	sst s0;
	s0 =	simm.s32 @!p1 $0x0  }
0x14: {  	s2 =	sld [smem:$0x3F97];
	s0 =	simm.s32 @p1 $0x1  }
0x15: {  	[smem:$0x3FB4] =	sst s0;
	s0 =	simm.s32 @!p2 $0x0  }
0x16: {  	s3 =	sld [smem:$0x3FDB];
	s0 =	simm.s32 @p2 $0x1  }
0x17: {  	s4 =	simm.s32 $0x1BF5;
	[smem:$0x3FB6] =	sst s0  }
0x18: {  	s0 =	sld [smem:$0x3F99];
	_ =	swait.ge [sflag:s4], $0x0  }
0x19: {  	s7 =	sld [smem:$0x3F9A]  }
0x1a: {  	s8 =	sadd.s32 $0xFFFFE003, lr  }
0x1b: {  	s9 =	sadd.s32 $0xFFFFFEF7, lr;
	s5 =	simm.s32 $0xFFFFFFFF;
	p2 =	slt.u32 s8, $0xFFFFF086  }
0x1c: {  	p1 =	slt.u32 s9, $0xF7A;
	s5 =	simm.s32 @!p2 $0x0  }
0x1d: {  	s5 =	simm.s32 @p1 $0x1;
	p0 =	seq.s32 s7, s2  }
0x1e: {  	s7 =	smul.u32 @!p0 $0xF7A, s2;
	p2 =	seq.s32 @!p0 s5, $0x0  }
0x1f: {  	s9 =	smul.u32 $0xF7A, s1;
	s8 =	simm.s32 @!p0 $0x1BF5;
	p2 =	por !p2, p0  }
0x20: {  	[sflag:s8] =	ssyncset.s32 @!p0 $0xFFFFF086;
	s6 =	sadd.s32 @!p0 s3, s7;
	s7 =	simm.s32 @!p0 $0x108  }
0x21: {  	s3 =	sadd.s32 s3, s9;
	s6 =	sadd.s32 @!p0 $0x88, s6;
	s7 =	simm.s32 @p2 $0x1082  }
0x22: {  	[simem:s7], [sflag:s8] =	dma.local @!p0 [hbm:s6], $0xF7A  }
0x23: {  	s9 =	sor.u32 $0xD0000000, s2;
	s6 =	simm.s32 $0x108;
	_ =	swait.ge @!p0 [sflag:s8], $0x0  }
0x24: {  	s3 =	sadd.s32 $0x88, s3;
	s6 =	simm.s32 @!p1 $0x1082;
	[sflag:s4] =	ssyncset.s32 $0xFFFFF086  }
0x25: {  	[simem:s6], [sflag:s4] =	dma.local [hbm:s3], $0xF7A  }
0x26: {  	[smem:$0x3F9A] =	sst s1;
	(tag) =	ssettag s2;
	_ =	strace s9  }
0x27: {  	s1 =	sld [smem:$0x3FAA]  }
0x28: {  	s2 =	sld [smem:$0x3FAB]  }
0x29: {  	s4 =	sld [smem:$0x3FAD]  }
0x2a: {  	p0 =	seq.s32 s5, $0x0;
	s5 =	sld [smem:$0x3FAE]  }
0x2b: {  	s6 =	sld [smem:$0x3FAF]  }
0x2c: {  	s7 =	sld [smem:$0x3FB0]  }
0x2d: {  	s3 =	simm.s32 $0x108;
	s8 =	sld [smem:$0x3FB1]  }
0x2e: {  	s3 =	simm.s32 @!p0 $0x1082;
	s9 =	sld [smem:$0x3FB2]  }
0x2f: {  	lr =	sadd.s32 s0, s3;
	s0 =	sld [smem:$0x3FA9]  }
0x30: {  	s3 =	sld [smem:$0x3FAC]  }
0x31: {  	[smem:$0x3FB5] =	sst s10  }
0x32: {  	s10 =	sld [smem:$0x3FB3];
	_ =	sdelay $0x3  }
0x33: {  	p0 =	seq.s32 s10, $0x1;
	s10 =	sld [smem:$0x3FB5];
	_ =	sdelay $0x3  }
0x34: {  	[smem:$0x3FB5] =	sst s10  }
0x35: {  	s10 =	sld [smem:$0x3FB4];
	_ =	sdelay $0x3  }
0x36: {  	p1 =	seq.s32 s10, $0x1;
	s10 =	sld [smem:$0x3FB5];
	_ =	sdelay $0x3  }
0x37: {  	[smem:$0x3FB5] =	sst s10  }
0x38: {  	s10 =	sld [smem:$0x3FB6]  }
0x39: {  	_ = 	snop;
	(pc) =	sbr.ind lr, $3  }
0x3a: {  	_ = 	snop  }
0x3b: {  	_ = 	snop  }
0x3c: {  	p2 =	seq.s32 s10, $0x1;
	s10 =	sld [smem:$0x3FB5]  }
0x3d: {  	_ =	shalt  }
0x3e: {  	_ =	shalt  }
0x3f: {  	_ =	shalt  }
0x40: {  	_ =	shalt  }
0x41: {  	_ =	shalt  }
0x42: {  	_ =	shalt  }
0x43: {  	_ =	shalt  }
0x44: {  	_ =	shalt  }
0x45: {  	_ =	shalt  }
0x46: {  	_ =	shalt  }
0x47: {  	_ =	shalt  }
0x48: {  	_ =	shalt  }
0x49: {  	_ =	shalt  }
0x4a: {  	_ =	shalt  }
0x4b: {  	_ =	shalt  }
0x4c: {  	_ =	shalt  }
0x4d: {  	_ =	shalt  }
0x4e: {  	_ =	shalt  }
0x4f: {  	_ =	shalt  }
0x50: {  	_ =	shalt  }
0x51: {  	_ =	shalt  }
0x52: {  	_ =	shalt  }
0x53: {  	_ =	shalt  }
0x54: {  	_ =	shalt  }
0x55: {  	_ =	shalt  }
0x56: {  	_ =	shalt  }
0x57: {  	_ =	shalt  }
0x58: {  	_ =	shalt  }
0x59: {  	_ =	shalt  }
0x5a: {  	_ =	shalt  }
0x5b: {  	_ =	shalt  }
0x5c: {  	_ =	shalt  }
0x5d: {  	_ =	shalt  }
0x5e: {  	_ =	shalt  }
0x5f: {  	_ =	shalt  }
0x60: {  	_ =	shalt  }
0x61: {  	_ =	shalt  }
0x62: {  	_ =	shalt  }
0x63: {  	_ =	shalt  }
0x64: {  	_ =	shalt  }
0x65: {  	_ =	shalt  }
0x66: {  	_ =	shalt  }
0x67: {  	_ =	shalt  }
0x68: {  	_ =	shalt  }
0x69: {  	_ =	shalt  }
0x6a: {  	_ =	shalt  }
0x6b: {  	_ =	shalt  }
0x6c: {  	_ =	shalt  }
0x6d: {  	_ =	shalt  }
0x6e: {  	_ =	shalt  }
0x6f: {  	_ =	shalt  }
0x70: {  	_ =	shalt  }
0x71: {  	_ =	shalt  }
0x72: {  	_ =	shalt  }
0x73: {  	_ =	shalt  }
0x74: {  	_ =	shalt  }
0x75: {  	_ =	shalt  }
0x76: {  	_ =	shalt  }
0x77: {  	_ =	shalt  }
0x78: {  	_ =	shalt  }
0x79: {  	_ =	shalt  }
0x7a: {  	_ =	shalt  }
0x7b: {  	_ =	shalt  }
0x7c: {  	_ =	shalt  }
0x7d: {  	_ =	shalt  }
0x7e: {  	_ =	shalt  }
0x7f: {  	_ =	shalt  }
0x80: {  	_ =	shalt  }
0x81: {  	_ =	shalt  }
0x82: {  	_ =	shalt  }
0x83: {  	_ =	shalt  }
0x84: {  	_ =	shalt  }
0x85: {  	_ =	shalt  }
0x86: {  	_ =	shalt  }
0x87: {  	_ =	shalt  }
.Lfunc_end0:
.L_simem_size_0:
called_computation_lowered:
.L_overlay_start_0:
0x88: {  	s2 =	sld [smem:$0x3FD9]  }
0x89: {  	s3 =	sld [smem:$0x3FFE];
	_ =	sdelay $0x1  }
0x8a: {  	s1 =	srdreg.scid  }
0x8b: {  	s0 =	sand.u32 $0x1, s1  }
0x8c: {  	s14 =	sshll.u32 s0, $0xA;
	s2 =	sadd.s32 s3, s2  }
0x8d: {  	s2 =	sadd.s32 s2, s14  }
0x8e: {  	[smem:$0x3FC1] =	sst s2  }
0x8f: {  	_ = 	snop  }
0x90: {  	s2 =	sld [smem:$0x3FD0];
	_ =	sdelay $0x2  }
0x91: {  	s15 =	simm.s32 $0xA;
	s4 =	simm.s32 $0x10  }
0x92: {  	[smem:s4], [sflag:s15] =	dma.local [hbm:s2], $0x1  }
0x93: {  	_ =	swait.eq [sflag:s15], $0x1  }
0x94: {  	[sflag:s15] =	ssyncset.done $0x0  }
0x95: {  	[sflag:s15] =	ssyncadd.s32 $0xFFFFFFFF  }
0x96: {  	s16 =	sld [smem:$0x10];
	(tm) =	ssettm $0x1  }
0x97: {  	s17 =	sld [smem:$0x3FFB];
	_ =	sdelay $0x3  }
0x98: {  	_ =	strace s17  }
0x99: {  	s3 =	sld [smem:$0x3FFC];
	_ =	sdelay $0x3  }
0x9a: {  	_ =	strace s3  }
0x9b: {  	s3 =	sld [smem:$0x3FFD];
	_ =	sdelay $0x3  }
0x9c: {  	_ =	strace s3  }
0x9d: {  	_ =	strace $0x8FFFFFFF  }
0x9e: {  	s18 =	sld [smem:$0x3FDB];
	_ =	sdelay $0x1  }
0x9f: {  	s19 =	simm.s32 $_scs_section_size  }
0xa0: {  	s5 =	simm.s32 $_size__tile_overlayer_lowered;
	s6 =	simm.s32 $_tile_overlayer_lowered  }
0xa1: {  	s22 =	simm.s32 $0x1BFF;
	s21 =	sshll.u32 s6, $0x1;
	s3 =	sadd.s32 s19, s18  }
0xa2: {  	s7 =	simm.s32 $0x0;
	s20 =	sshll.u32 s5, $0x1;
	s5 =	sadd.s32 s21, s3  }
0xa3: {  	[timem:s7], [sflag:s22] =	dma.local [hbm:s5], s20  }
0xa4: {  	_ =	swait.ge [sflag:s22], s20  }
0xa5: {  	s4 =	ssub.s32 $0x0, s20;
	[sflag:s22] =	ssyncset.done $0x0  }
0xa6: {  	[sflag:s22] =	ssyncadd.s32 s4;
	_ =	sdelay $0x1  }
0xa7: {  	s23 =	simm.s32 $0x1B8B  }
0xa8: {  	_ =	swait.ge [sflag:s23], $0x1  }
0xa9: {  	[sflag:s23] =	ssyncset.done $0x0  }
0xaa: {  	s25 =	simm.s32 $0x1B8E;
	s24 =	sld [smem:$0x3FFE];
	[sflag:s23] =	ssyncadd.s32 $0xFFFFFFFF  }
0xab: {  	s26 =	simm.s32 $execute0_lowered;
	[smem:$0x3FD2] =	sst s25  }
0xac: {  	s5 =	sshll.u32 s26, $0x1;
	_ =	strace $0x80000046;
	[dreg:$0x1] =	wrdreg $0xFFFFFFFF  }
0xad: {  	s28 =	simm.s32 $_size_execute0_lowered;
	s3 =	sadd.s32 s3, s5;
	[dreg:$0x0] =	wrdreg $0x0  }
0xae: {  	s5 =	sshll.u32 s28, $0x1;
	[dreg:$0x2] =	wrdreg s3  }
0xaf: {  	[dreg:$0x3] =	wrdreg s5  }
0xb0: {  	[dreg:$0x4] =	wrdreg $0xC0  }
0xb1: {  	_ =	task [dreg:s7], $0x5FFFF  }
0xb2: {  	[dreg:$0x1] =	wrdreg $0xFFFFFFFF  }
0xb3: {  	[dreg:$0x0] =	wrdreg $0x60  }
0xb4: {  	[dreg:$0x2] =	wrdreg s24  }
0xb5: {  	[dreg:$0x3] =	wrdreg s16  }
0xb6: {  	[dreg:$0x4] =	wrdreg $0x57000  }
0xb7: {  	[dreg:$0x5] =	wrdreg $0x9  }
0xb8: {  	_ =	task.clear_ibuf [dreg:s7], $0x6FFFF;
	_ =	strace $0x90000046  }
0xb9: {  	s29 =	simm.s32 $0x9;
	_ =	strace $0x80000048  }
0xba: {  	_ =	swait.ge [sflag:s29], $0x1  }
0xbb: {  	[sflag:s29] =	ssyncadd.s32 $0xFFFFFFFF  }
0xbc: {  	_ =	strace $0x90000048  }
0xbd: {  	_ =	sfence  }
0xbe: {  	s30 =	sld [smem:$0x0];
	_ =	sdelay $0x2  }
0xbf: {  	s31 =	sshll.u32 s1, $0xD;
	s1 =	sshrl.u32 s1, $0x2  }
0xc0: {  	s3 =	sand.u32 $0x4000, s31;
	s1 =	sadd.s32 s1, s30  }
0xc1: {  	s0 =	sor.u32 s3, s0;
	s1 =	sshll.u32 s1, $0x11  }
0xc2: {  	s0 =	sor.u32 s1, s0  }
0xc3: {  	s0 =	sadd.s32 $0x8F2B, s0  }
0xc4: {  	[sflag:s0] =	ssyncadd.remote.s32 $0x1  }
0xc5: {  	_ =	sfence.sel $0xFFFF  }
0xc6: {  	[dreg:$0x0] =	wrdreg $0xFFFFFFFF;
	(pc) =	sbr.abs _section_cstart, $3  }
0xc7: {  	[dreg:$0x1] =	wrdreg $0xFFFFFFFF  }
0xc8: {  	_ =	task.clear_ibuf [dreg:s7], $0x2FFFF;
	_ =	strace $0x9FFFFFFF  }
0xc9: {  	(tm) =	ssettm $0x7FFFFFFF  }
tec
execute0_lowered:
.L_overlay_start_1:
0x0: {  	(tag) =	ssettag $0x1  }
0x1: {  	s5 =	rddreg [dreg:$0x0]  }
0x2: {  	s2 =	rddreg [dreg:$0x1]  }
0x3: {  	s3 =	rddreg [dreg:$0x2]  }
0x4: {  	s0 =	rddreg [dreg:$0x3];
	s1 =	stileid.u32  }
0x5: {  	s6 =	srdreg.scid;
	s7 =	smul.u32 $0x9E0, s1  }
0x6: {  	s4 =	simm.s32 $0x0;
	s6 =	sand.u32 $0x1, s6;
	s12 =	smul.u32 $0x2800, s1  }
0x7: {  	[smem:$0x7FF] =	sst s4;
	s8 =	smul.u32 $0x4F0, s6  }
0x8: {  	s31 =	sshll.u32 s1, $0x6;
	s9 =	smul.u32 $0x5000, s6;
	s6 =	ssub.s32 $0x2, s6  }
0x9: {  	_ =	strace $0x80000047;
	s7 =	sadd.s32 s7, s5;
	s10 =	sshrl.u32 s6, $0x1  }
0xa: {  	v0 =	vlaneseq.u32;
	s13 =	sadd.s32 s12, s3;
	s15 =	sshrl.u32 s12, $0x3;
	s11 =	sadd.s32 s8, s7  }
0xb: {  	v0 =	vmul.u32 $0x10, v0;
	s9 =	sadd.s32 s9, s5;
	s6 =	ssub.s32 s6, s10;
	s30 =	sadd.s32 $0x1E00, s7  }
0xc: {  	s7 =	simm.s32 $0x1;
	s10 =	simm.s32 $0x4F00;
	s12 =	sshrl.u32 s13, $0x3  }
0xd: {  	v1 =	vor.u32 $0x100, v0;
	s13 =	simm.s32 $0x80;
	s5 =	sadd.s32 $0xBC00, s11;
	s14 =	sadd.s32 $0x15A00, s9  }
0xe: {  	v2 =	vor.u32 $0x200, v0;
	v3 =	vor.u32 $0x300, v0;
	v4 =	vor.u32 $0x400, v0;
	s6 =	smax.u32 s6, $0x1;
	s8 =	sadd.s32 s8, s30;
	s9 =	simm.s32 $0x2780  }
0xf: {  	v5 =	vor.u32 $0x500, v0;
	v6 =	vor.u32 $0x600, v0;
	v7 =	vor.u32 $0x700, v0;
	s11 =	sor.u32 $0x1C01, s31;
	s14 =	sadd.s32 s15, s14;
	s15 =	simm.s32 $0x0  }
.LBB2_1:
0x10: {  	[tilespmem:s4], [sflag:$0x1] =	stream.linear.gather [hbm4b:s5+s4], $0x2780, $0x38;
	[tilespmem:$0x7F00] =	vst v63  }
0x11: {  	_ =	swait.ge [sflag:s7], $0x2780  }
0x12: {  	[sflag:s7] =	ssyncset.done $0x0  }
0x13: {  	[sflag:s7] =	ssyncadd.s32 $0xFFFFD880  }
0x14: {  	[tilespmem:s9], [sflag:$0x1] =	stream.linear.gather [hbm4b:s8+s4], $0x2780, $0x38;
	[tilespmem:$0x7F00] =	vst v63  }
0x15: {  	_ =	swait.ge [sflag:s7], $0x2780  }
0x16: {  	[sflag:s7] =	ssyncset.done $0x0  }
0x17: {  	[sflag:s7] =	ssyncadd.s32 $0xFFFFD880  }
0x18: {  	[tilespmem:s10], [sflag:$0x1] =	stream.linear.gather [hbm4b:s2+s4], $0x800, $0x38;
	[tilespmem:$0x7F00] =	vst v63  }
0x19: {  	_ =	swait.ge [sflag:s7], $0x800  }
0x1a: {  	[sflag:s7] =	ssyncset.done $0x0  }
0x1b: {  	[sflag:s7] =	ssyncadd.s32 $0xFFFFF800  }
0x1c: {  	[spmem:s12], [sflag:s11] =	dma.local [hbm:s2], $0x500  }
0x1d: {  	_ =	swait.ge [sflag:s7], $0x500  }
0x1e: {  	[sflag:s7] =	ssyncset.done $0x0  }
0x1f: {  	[sflag:s7] =	ssyncadd.s32 $0xFFFFFB00  }
0x20: {  	s16 =	simm.s32 $0x0;
	[bflag:$0x0] =	sbarrier.arrive $0xFFFF  }
0x21: {  	v8 =	vld [tilespmem:s16+$0x2780];
	_ =	sdelay $0x4  }
0x22: {  	[tilespmem:v0+s10+$0x0] =	vst.idx.msk $0xffff, v8  }
0x23: {  	v8 =	vld [tilespmem:s16+$0x2790];
	_ =	sdelay $0x4  }
0x24: {  	[tilespmem:v1+s10+$0x0] =	vst.idx.msk $0xffff, v8  }
0x25: {  	v8 =	vld [tilespmem:s16+$0x27A0];
	_ =	sdelay $0x4  }
0x26: {  	[tilespmem:v2+s10+$0x0] =	vst.idx.msk $0xffff, v8  }
0x27: {  	v8 =	vld [tilespmem:s16+$0x27B0];
	_ =	sdelay $0x4  }
0x28: {  	[tilespmem:v3+s10+$0x0] =	vst.idx.msk $0xffff, v8  }
0x29: {  	v8 =	vld [tilespmem:s16+$0x27C0];
	_ =	sdelay $0x4  }
0x2a: {  	[tilespmem:v4+s10+$0x0] =	vst.idx.msk $0xffff, v8  }
0x2b: {  	v8 =	vld [tilespmem:s16+$0x27D0];
	_ =	sdelay $0x4  }
0x2c: {  	[tilespmem:v5+s10+$0x0] =	vst.idx.msk $0xffff, v8  }
0x2d: {  	v8 =	vld [tilespmem:s16+$0x27E0];
	_ =	sdelay $0x4  }
0x2e: {  	[tilespmem:v6+s10+$0x0] =	vst.idx.msk $0xffff, v8  }
0x2f: {  	v8 =	vld [tilespmem:s16+$0x27F0];
	_ =	sdelay $0x4  }
0x30: {  	[tilespmem:v7+s10+$0x0] =	vst.idx.msk $0xffff, v8  }
0x31: {  	[spmem:s3] =	stream.indirect.scatter.add.f32 [tilespmem:s10], [sflag:$0x1], $0x10, s16, s13, $0xb8;
	[tilespmem:$0x7F00] =	vst v63  }
0x32: {  	_ =	swait.ge [sflag:s7], $0x800  }
0x33: {  	s19 =	simm.s32 $0x400;
	s16 =	simm.s32 $0x200;
	[sflag:s7] =	ssyncset.done $0x0  }
.LBB2_2:
0x34: {  	s18 =	sshra.s32 s16, $0x2  }
0x35: {  	[sflag:s7] =	ssyncadd.s32 $0xFFFFF800;
	s16 =	smov.u32 s19;
	s17 =	sadd.s32 $0x200, s19  }
0x36: {  	p0 =	sne.s32 s19, $0x9C00;
	v8 =	vld [tilespmem:s18+$0x2780];
	_ =	sdelay $0x4  }
0x37: {  	[tilespmem:v0+s10+$0x0] =	vst.idx.msk $0xffff, v8  }
0x38: {  	v8 =	vld [tilespmem:s18+$0x2790];
	_ =	sdelay $0x4  }
0x39: {  	[tilespmem:v1+s10+$0x0] =	vst.idx.msk $0xffff, v8  }
0x3a: {  	v8 =	vld [tilespmem:s18+$0x27A0];
	_ =	sdelay $0x4  }
0x3b: {  	[tilespmem:v2+s10+$0x0] =	vst.idx.msk $0xffff, v8  }
0x3c: {  	v8 =	vld [tilespmem:s18+$0x27B0];
	_ =	sdelay $0x4  }
0x3d: {  	[tilespmem:v3+s10+$0x0] =	vst.idx.msk $0xffff, v8  }
0x3e: {  	v8 =	vld [tilespmem:s18+$0x27C0];
	_ =	sdelay $0x4  }
0x3f: {  	[tilespmem:v4+s10+$0x0] =	vst.idx.msk $0xffff, v8  }
0x40: {  	v8 =	vld [tilespmem:s18+$0x27D0];
	_ =	sdelay $0x4  }
0x41: {  	[tilespmem:v5+s10+$0x0] =	vst.idx.msk $0xffff, v8  }
0x42: {  	v8 =	vld [tilespmem:s18+$0x27E0];
	_ =	sdelay $0x4  }
0x43: {  	[tilespmem:v6+s10+$0x0] =	vst.idx.msk $0xffff, v8  }
0x44: {  	v8 =	vld [tilespmem:s18+$0x27F0];
	_ =	sdelay $0x3  }
.Ltmp0:
0x45: {  	(pc) =	sbr.rel @p0 .LBB2_2-.Ltmp0, $4  }
0x46: {  	[tilespmem:v7+s10+$0x0] =	vst.idx.msk $0xffff, v8  }
0x47: {  	[spmem:s3] =	stream.indirect.scatter.add.f32 [tilespmem:s10], [sflag:$0x1], $0x10, s18, s13, $0xb8;
	[tilespmem:$0x7F00] =	vst v63  }
0x48: {  	_ =	swait.ge [sflag:s7], $0x800  }
0x49: {  	s19 =	smov.u32 s17;
	[sflag:s7] =	ssyncset.done $0x0  }
0x4a: {  	s16 =	sshra.s32 s16, $0x2;
	[sflag:s7] =	ssyncadd.s32 $0xFFFFF800  }
0x4b: {  	v8 =	vld [tilespmem:s16+$0x2780];
	_ =	sdelay $0x4  }
0x4c: {  	[tilespmem:v0+s10+$0x0] =	vst.idx.msk $0xffff, v8  }
0x4d: {  	v8 =	vld [tilespmem:s16+$0x2790];
	_ =	sdelay $0x4  }
0x4e: {  	[tilespmem:v1+s10+$0x0] =	vst.idx.msk $0xffff, v8  }
0x4f: {  	v8 =	vld [tilespmem:s16+$0x27A0];
	_ =	sdelay $0x4  }
0x50: {  	[tilespmem:v2+s10+$0x0] =	vst.idx.msk $0xffff, v8  }
0x51: {  	v8 =	vld [tilespmem:s16+$0x27B0];
	_ =	sdelay $0x4  }
0x52: {  	[tilespmem:v3+s10+$0x0] =	vst.idx.msk $0xffff, v8  }
0x53: {  	v8 =	vld [tilespmem:s16+$0x27C0];
	_ =	sdelay $0x4  }
0x54: {  	[tilespmem:v4+s10+$0x0] =	vst.idx.msk $0xffff, v8  }
0x55: {  	v8 =	vld [tilespmem:s16+$0x27D0];
	_ =	sdelay $0x4  }
0x56: {  	[tilespmem:v5+s10+$0x0] =	vst.idx.msk $0xffff, v8  }
0x57: {  	v8 =	vld [tilespmem:s16+$0x27E0];
	_ =	sdelay $0x4  }
0x58: {  	[tilespmem:v6+s10+$0x0] =	vst.idx.msk $0xffff, v8  }
0x59: {  	v8 =	vld [tilespmem:s16+$0x27F0];
	_ =	sdelay $0x4  }
0x5a: {  	[tilespmem:v7+s10+$0x0] =	vst.idx.msk $0xffff, v8  }
0x5b: {  	[spmem:s3] =	stream.indirect.scatter.add.f32 [tilespmem:s10], [sflag:$0x1], $0x10, s16, s13, $0xb8;
	[tilespmem:$0x7F00] =	vst v63  }
0x5c: {  	_ =	swait.ge [sflag:s7], $0x800  }
0x5d: {  	[sflag:s7] =	ssyncset.done $0x0  }
0x5e: {  	s15 =	sadd.s32 $0x1, s15;
	[sflag:s7] =	ssyncadd.s32 $0xFFFFF800  }
0x5f: {  	p0 =	sne.s32 s15, s6;
	[bflag:$0x0] =	sbarrier.arrive $0xFFFF  }
.Ltmp1:
0x60: {  	[bflag:$0x0] =	sbarrier.arrive $0xFFFF;
	(pc) =	sbr.rel @p0 .LBB2_1-.Ltmp1, $4  }
0x61: {  	[hbm:s14], [sflag:s11] =	dma.local [spmem:s12], $0x500  }
0x62: {  	_ =	swait.ge [sflag:s7], $0x500  }
0x63: {  	[sflag:s7] =	ssyncset.done $0x0  }
0x64: {  	[sflag:s7] =	ssyncadd.s32 $0xFFFFFB00  }
0x65: {  	_ =	sfence.sel $0x180000  }
0x66: {  	[bflag:$0x0] =	sbarrier.arrive $0xFFFF  }
0x67: {  	p0 =	sne.s32 s1, $0x0;
	_ =	strace $0x90000047  }
0x68: {  	s0 =	sadd.s32 @!p0 $0x100000, s0;
	[bflag:$0x2] =	sbarrier.arrive $0xFFFF  }
0x69: {  	[sflag:s0] =	ssyncadd.tile.s32 @!p0 $0x1;
	_ =	shalt  }
.Lfunc_end2:
_tile_overlayer_lowered:
.L_overlay_start_2:
0x6a: {  	(tag) =	ssettag $0x2  }
0x6b: {  	s0 =	rddreg [dreg:$0x0];
	s2 =	stileid.u32  }
0x6c: {  	s1 =	rddreg [dreg:$0x1];
	p0 =	sne.s32 s2, $0x0  }
0x6d: {  	s3 =	rddreg [dreg:$0x2];
	[bflag:$0x3] =	sbarrier.arrive $0xFFFF;
	s2 =	simm.s32 @!p0 $0x1C01  }
0x6e: {  	[timem:s3], [sflag:s2] =	dma.local @!p0 [hbm:s0], s1  }
0x6f: {  	s0 =	simm.s32 @!p0 $0x1  }
0x70: {  	_ =	swait.ge @!p0 [sflag:s0], s1  }
0x71: {  	s1 =	ssub.s32 @!p0 $0x0, s1;
	[sflag:s0] =	ssyncset.done @!p0 $0x0  }
0x72: {  	[sflag:s0] =	ssyncadd.s32 @!p0 s1  }
0x73: {  	[bflag:$0x3] =	sbarrier.arrive $0xFFFF  }
0x74: {  	_ =	shalt  }

</sc_bundles>
